<compile_context>
chip_gen: v7x
topology: tpu7x:2x2x1
jax: 0.10.2.dev20260603
libtpu: 0.0.44.dev20260713+nightly
codegen_flags: <defaults>
</compile_context>

<pallas_src>
import jax
import jax.numpy as jnp
from jax import lax
from jax.experimental import pallas as pl
from jax.experimental.pallas import tpu as pltpu
from jax.experimental.pallas import tpu_sc as plsc

_NUM_EMBEDDINGS = 1_000_000
_DIM = 64
_TP_SIZE = 4
_TP_RANK = 1
_PER_PART = _NUM_EMBEDDINGS // _TP_SIZE
_VSTART = _PER_PART * _TP_RANK
_VEND = _VSTART + _PER_PART

_ZPAD = 8192
_ZMASK = _ZPAD - 1

_B = 16384 * 50
_NC = 2
_NS = 16
_NW = _NC * _NS
_CHUNK = _B // _NW
_G = 128
_S = 512
_NGS = _S // _G
_NSUP = _CHUNK // _S
_NB = 3
_L = 16


def _body(x_hbm, tab_hbm, out_hbm, xin, lidx, rows, sem_i, sem_g, sem_w):
    wid = lax.axis_index("s") * _NC + lax.axis_index("c")
    base = wid * _CHUNK

    def fire_ids(sc, b):
        sbase = base + sc * _S
        pltpu.async_copy(x_hbm.at[pl.ds(sbase, _S)], xin.at[b], sem_i.at[b])

    def wait_ids(sc, b):
        sbase = base + sc * _S
        pltpu.make_async_copy(x_hbm.at[pl.ds(sbase, _S)], xin.at[b],
                              sem_i.at[b]).wait()

    def fire_gathers(sc, b):
        wait_ids(sc, b)
        for g in range(_NGS):
            def mk(i, c, g=g):
                xv = xin[b, pl.ds(g * _G + i * _L, _L)]
                m = (xv >= _VSTART) & (xv < _VEND)
                lidx[b, g, pl.ds(i * _L, _L)] = jnp.where(
                    m, xv - _VSTART, _PER_PART + (xv & _ZMASK))
                return c
            lax.fori_loop(0, _G // _L, mk, 0)
            pltpu.async_copy(tab_hbm.at[lidx.at[b, g]],
                             rows.at[b, pl.ds(g * _G, _G)], sem_g.at[b])

    def drain_gathers(b):
        for g in range(_NGS):
            pltpu.make_async_copy(tab_hbm.at[lidx.at[b, 0]],
                                  rows.at[b, pl.ds(0, _G)],
                                  sem_g.at[b]).wait()

    def writeback(sc, b):
        sbase = base + sc * _S
        pltpu.async_copy(rows.at[b], out_hbm.at[pl.ds(sbase, _S)], sem_w.at[b])

    def wait_wb(b):
        pltpu.make_async_copy(rows.at[b], out_hbm.at[pl.ds(base, _S)],
                              sem_w.at[b]).wait()

    fire_ids(0, 0)
    fire_ids(1, 1)
    fire_ids(2, 2)
    fire_gathers(0, 0)
    fire_gathers(1, 1)

    def step(sc, carry):
        b = sc % _NB
        drain_gathers(b)
        writeback(sc, b)
        bn = (sc + 2) % _NB
        @pl.when(sc + 2 < _NSUP)
        def _():
            @pl.when(sc > 0)
            def _():
                wait_wb(bn)
            fire_gathers(sc + 2, bn)

        @pl.when(sc + 3 < _NSUP)
        def _():
            fire_ids(sc + 3, (sc + 3) % _NB)
        return carry

    lax.fori_loop(0, _NSUP, step, 0)
    for b in range(_NB):
        wait_wb(b)


def kernel(x, embedding):
    xf = x.reshape(-1)
    tab = jnp.concatenate(
        [embedding, jnp.zeros((_ZPAD, _DIM), jnp.float32)], axis=0)
    mesh = plsc.VectorSubcoreMesh(core_axis_name="c", subcore_axis_name="s")
    f = pl.kernel(
        _body,
        out_type=jax.ShapeDtypeStruct((_B, _DIM), jnp.float32),
        mesh=mesh,
        compiler_params=pltpu.CompilerParams(use_tc_tiling_on_sc=False),
        scratch_types=[
            pltpu.VMEM((_NB, _S), jnp.int32),
            pltpu.VMEM((_NB, _NGS, _G), jnp.int32),
            pltpu.VMEM((_NB, _S, _DIM), jnp.float32),
            pltpu.SemaphoreType.DMA((_NB,)),
            pltpu.SemaphoreType.DMA((_NB,)),
            pltpu.SemaphoreType.DMA((_NB,)),
        ],
    )
    out = f(xf, tab)
    return out.reshape(x.shape[0], x.shape[1], _DIM)

# --- scband reference (transcript-rebuilt; emitter-appended) ---
"""Pipeline reference for scband-vocab-parallel-embedding-66984309948671 (READ-ONLY COPY).

The authoritative reference and input builder live on the scoring server;
editing this copy changes nothing except your own understanding.
"""

import jax, jax.numpy as jnp
import numpy as np

NUM_EMBEDDINGS = 1000000
EMBEDDING_DIM = 64
TP_SIZE = 4
TP_RANK = 1
PER_PART = NUM_EMBEDDINGS // TP_SIZE  # 250000
VSTART = PER_PART * TP_RANK           # 250000
VEND = VSTART + PER_PART              # 500000


def setup_inputs(seed: int = 0) -> dict:
    key = jax.random.key(seed)
    k1, k2 = jax.random.split(key)
    x = jax.random.randint(k1, (16384, 50), 0, NUM_EMBEDDINGS, dtype=jnp.int32)
    # local embedding shard for this tp rank, init normal(stddev=0.02)
    embedding = jax.random.normal(k2, (PER_PART, EMBEDDING_DIM), dtype=jnp.float32) * 0.02
    return {"x": x, "embedding": embedding}


def reference(x, embedding):
    # VocabParallelEmbedding.__call__ with tp_size > 1:
    # mask tokens belonging to this rank's vocab shard, gather from local table,
    # zero out embeddings for out-of-shard tokens (the psum over tp happens outside).
    mask = (x >= VSTART) & (x < VEND)
    x_local = jnp.where(mask, x - VSTART, 0)
    y = jnp.take(embedding, x_local, axis=0)
    mask_expanded = jnp.expand_dims(mask, axis=-1)
    y = jnp.where(mask_expanded, y, 0.0)
    return y

if __name__ == "__main__":
    import jax
    _d = setup_inputs()
    print(jax.jit(kernel)(*tuple(_d.values())))

</pallas_src>

<mosaic_0001>
#map = affine_map<(d0, d1) -> (0)>
#map1 = affine_map<(d0, d1) -> (0, 0)>
module attributes {stable_mosaic.version = 14 : i64} {
  func.func @_body(%arg0: i32, %arg1: i32, %arg2: memref<819200xi32, #tpu.memory_space<hbm>>, %arg3: memref<258192x64xf32, #tpu.memory_space<hbm>>, %arg4: memref<819200x64xf32, #tpu.memory_space<hbm>>, %arg5: memref<3x512xi32, #tpu.memory_space<vmem>>, %arg6: memref<3x4x128xi32, #tpu.memory_space<vmem>>, %arg7: memref<3x512x64xf32, #tpu.memory_space<vmem>>, %arg8: memref<3x!tpu.dma_semaphore, #tpu.memory_space<semaphore_mem>>, %arg9: memref<3x!tpu.dma_semaphore, #tpu.memory_space<semaphore_mem>>, %arg10: memref<3x!tpu.dma_semaphore, #tpu.memory_space<semaphore_mem>>) attributes {dimension_semantics = [#tpu.dimension_semantics<core_parallel>, #tpu.dimension_semantics<subcore_parallel>], iteration_bounds = array<i64: 2, 16>, scalar_prefetch = 0 : i64, scratch_operands = 6 : i64, tpu.core_type = #tpu.core_type<sc_vector_subcore>, window_params = [{transform_indices = #map}, {transform_indices = #map1}, {transform_indices = #map1}]} {
    %mul3A = arith.constant 2 : i32
    %mul3A_0 = arith.muli %arg1, %mul3A : i32
    %add3A = arith.addi %mul3A_0, %arg0 : i32
    %mul3A_1 = arith.constant 25600 : i32
    %mul3A_2 = arith.muli %add3A, %mul3A_1 : i32
    %add3A_3 = arith.constant 0 : i32
    %add3A_4 = arith.addi %mul3A_2, %add3A_3 : i32
    %dma_start3A = arith.constant 0 : i32
    %dma_start3A_5 = arith.constant 0 : i32
    %dma_start3A_6 = arith.constant 0 : i32
    %dma_start3A_7 = tpu.memref_slice %arg5[%dma_start3A, %dma_start3A_6] : memref<3x512xi32, #tpu.memory_space<vmem>> -> memref<1x512xi32, #tpu.memory_space<vmem>>
    %dma_start3A_8 = tpu.memref_squeeze %dma_start3A_7 : memref<1x512xi32, #tpu.memory_space<vmem>> -> memref<512xi32, #tpu.memory_space<vmem>>
    %dma_start3A_9 = tpu.memref_slice %arg2[%add3A_4] : memref<819200xi32, #tpu.memory_space<hbm>> -> memref<512xi32, #tpu.memory_space<hbm>>
    %dma_start3A_10 = tpu.memref_slice %arg8[%dma_start3A_5] : memref<3x!tpu.dma_semaphore, #tpu.memory_space<semaphore_mem>> -> memref<1x!tpu.dma_semaphore, #tpu.memory_space<semaphore_mem>>
    %dma_start3A_11 = tpu.memref_squeeze %dma_start3A_10 : memref<1x!tpu.dma_semaphore, #tpu.memory_space<semaphore_mem>> -> memref<!tpu.dma_semaphore, #tpu.memory_space<semaphore_mem>>
    %dma_start3A_12 = arith.constant 0 : i32
    %dma_start3A_13 = tpu.memref_slice %arg5[%dma_start3A, %dma_start3A_12] : memref<3x512xi32, #tpu.memory_space<vmem>> -> memref<1x512xi32, #tpu.memory_space<vmem>>
    %dma_start3A_14 = tpu.memref_squeeze %dma_start3A_13 : memref<1x512xi32, #tpu.memory_space<vmem>> -> memref<512xi32, #tpu.memory_space<vmem>>
    %dma_start3A_15 = tpu.memref_slice %arg2[%add3A_4] : memref<819200xi32, #tpu.memory_space<hbm>> -> memref<512xi32, #tpu.memory_space<hbm>>
    tpu.enqueue_dma source(%dma_start3A_15 : memref<512xi32, #tpu.memory_space<hbm>>) target(%dma_start3A_14 : memref<512xi32, #tpu.memory_space<vmem>>) target_semaphore(%dma_start3A_11 : memref<!tpu.dma_semaphore, #tpu.memory_space<semaphore_mem>>)
    %add3A_16 = arith.constant 512 : i32
    %add3A_17 = arith.addi %mul3A_2, %add3A_16 : i32
    %dma_start3A_18 = arith.constant 1 : i32
    %dma_start3A_19 = arith.constant 1 : i32
    %dma_start3A_20 = arith.constant 0 : i32
    %dma_start3A_21 = tpu.memref_slice %arg5[%dma_start3A_18, %dma_start3A_20] : memref<3x512xi32, #tpu.memory_space<vmem>> -> memref<1x512xi32, #tpu.memory_space<vmem>>
    %dma_start3A_22 = tpu.memref_squeeze %dma_start3A_21 : memref<1x512xi32, #tpu.memory_space<vmem>> -> memref<512xi32, #tpu.memory_space<vmem>>
    %dma_start3A_23 = tpu.memref_slice %arg2[%add3A_17] : memref<819200xi32, #tpu.memory_space<hbm>> -> memref<512xi32, #tpu.memory_space<hbm>>
    %dma_start3A_24 = tpu.memref_slice %arg8[%dma_start3A_19] : memref<3x!tpu.dma_semaphore, #tpu.memory_space<semaphore_mem>> -> memref<1x!tpu.dma_semaphore, #tpu.memory_space<semaphore_mem>>
    %dma_start3A_25 = tpu.memref_squeeze %dma_start3A_24 : memref<1x!tpu.dma_semaphore, #tpu.memory_space<semaphore_mem>> -> memref<!tpu.dma_semaphore, #tpu.memory_space<semaphore_mem>>
    %dma_start3A_26 = arith.constant 0 : i32
    %dma_start3A_27 = tpu.memref_slice %arg5[%dma_start3A_18, %dma_start3A_26] : memref<3x512xi32, #tpu.memory_space<vmem>> -> memref<1x512xi32, #tpu.memory_space<vmem>>
    %dma_start3A_28 = tpu.memref_squeeze %dma_start3A_27 : memref<1x512xi32, #tpu.memory_space<vmem>> -> memref<512xi32, #tpu.memory_space<vmem>>
    %dma_start3A_29 = tpu.memref_slice %arg2[%add3A_17] : memref<819200xi32, #tpu.memory_space<hbm>> -> memref<512xi32, #tpu.memory_space<hbm>>
    tpu.enqueue_dma source(%dma_start3A_29 : memref<512xi32, #tpu.memory_space<hbm>>) target(%dma_start3A_28 : memref<512xi32, #tpu.memory_space<vmem>>) target_semaphore(%dma_start3A_25 : memref<!tpu.dma_semaphore, #tpu.memory_space<semaphore_mem>>)
    %add3A_30 = arith.constant 1024 : i32
    %add3A_31 = arith.addi %mul3A_2, %add3A_30 : i32
    %dma_start3A_32 = arith.constant 2 : i32
    %dma_start3A_33 = arith.constant 2 : i32
    %dma_start3A_34 = arith.constant 0 : i32
    %dma_start3A_35 = tpu.memref_slice %arg5[%dma_start3A_32, %dma_start3A_34] : memref<3x512xi32, #tpu.memory_space<vmem>> -> memref<1x512xi32, #tpu.memory_space<vmem>>
    %dma_start3A_36 = tpu.memref_squeeze %dma_start3A_35 : memref<1x512xi32, #tpu.memory_space<vmem>> -> memref<512xi32, #tpu.memory_space<vmem>>
    %dma_start3A_37 = tpu.memref_slice %arg2[%add3A_31] : memref<819200xi32, #tpu.memory_space<hbm>> -> memref<512xi32, #tpu.memory_space<hbm>>
    %dma_start3A_38 = tpu.memref_slice %arg8[%dma_start3A_33] : memref<3x!tpu.dma_semaphore, #tpu.memory_space<semaphore_mem>> -> memref<1x!tpu.dma_semaphore, #tpu.memory_space<semaphore_mem>>
    %dma_start3A_39 = tpu.memref_squeeze %dma_start3A_38 : memref<1x!tpu.dma_semaphore, #tpu.memory_space<semaphore_mem>> -> memref<!tpu.dma_semaphore, #tpu.memory_space<semaphore_mem>>
    %dma_start3A_40 = arith.constant 0 : i32
    %dma_start3A_41 = tpu.memref_slice %arg5[%dma_start3A_32, %dma_start3A_40] : memref<3x512xi32, #tpu.memory_space<vmem>> -> memref<1x512xi32, #tpu.memory_space<vmem>>
    %dma_start3A_42 = tpu.memref_squeeze %dma_start3A_41 : memref<1x512xi32, #tpu.memory_space<vmem>> -> memref<512xi32, #tpu.memory_space<vmem>>
    %dma_start3A_43 = tpu.memref_slice %arg2[%add3A_31] : memref<819200xi32, #tpu.memory_space<hbm>> -> memref<512xi32, #tpu.memory_space<hbm>>
    tpu.enqueue_dma source(%dma_start3A_43 : memref<512xi32, #tpu.memory_space<hbm>>) target(%dma_start3A_42 : memref<512xi32, #tpu.memory_space<vmem>>) target_semaphore(%dma_start3A_39 : memref<!tpu.dma_semaphore, #tpu.memory_space<semaphore_mem>>)
    %add3A_44 = arith.constant 0 : i32
    %add3A_45 = arith.addi %mul3A_2, %add3A_44 : i32
    %dma_wait3A = arith.constant 0 : i32
    %dma_wait3A_46 = arith.constant 0 : i32
    %dma_wait3A_47 = arith.constant 0 : i32
    %dma_wait3A_48 = tpu.memref_slice %arg5[%dma_wait3A, %dma_wait3A_47] : memref<3x512xi32, #tpu.memory_space<vmem>> -> memref<1x512xi32, #tpu.memory_space<vmem>>
    %dma_wait3A_49 = tpu.memref_squeeze %dma_wait3A_48 : memref<1x512xi32, #tpu.memory_space<vmem>> -> memref<512xi32, #tpu.memory_space<vmem>>
    %dma_wait3A_50 = tpu.memref_slice %arg2[%add3A_45] : memref<819200xi32, #tpu.memory_space<hbm>> -> memref<512xi32, #tpu.memory_space<hbm>>
    %dma_wait3A_51 = tpu.memref_slice %arg8[%dma_wait3A_46] : memref<3x!tpu.dma_semaphore, #tpu.memory_space<semaphore_mem>> -> memref<1x!tpu.dma_semaphore, #tpu.memory_space<semaphore_mem>>
    %dma_wait3A_52 = tpu.memref_squeeze %dma_wait3A_51 : memref<1x!tpu.dma_semaphore, #tpu.memory_space<semaphore_mem>> -> memref<!tpu.dma_semaphore, #tpu.memory_space<semaphore_mem>>
    %dma_wait3A_53 = arith.constant 0 : i32
    %dma_wait3A_54 = tpu.memref_slice %arg5[%dma_wait3A, %dma_wait3A_53] : memref<3x512xi32, #tpu.memory_space<vmem>> -> memref<1x512xi32, #tpu.memory_space<vmem>>
    %dma_wait3A_55 = tpu.memref_squeeze %dma_wait3A_54 : memref<1x512xi32, #tpu.memory_space<vmem>> -> memref<512xi32, #tpu.memory_space<vmem>>
    %dma_wait3A_56 = tpu.memref_slice %arg2[%add3A_45] : memref<819200xi32, #tpu.memory_space<hbm>> -> memref<512xi32, #tpu.memory_space<hbm>>
    tpu.wait_dma2 semaphore(%dma_wait3A_52 : memref<!tpu.dma_semaphore, #tpu.memory_space<semaphore_mem>>) src(%dma_wait3A_56 : memref<512xi32, #tpu.memory_space<hbm>>) dst(%dma_wait3A_55 : memref<512xi32, #tpu.memory_space<vmem>>)
    %scan3A = arith.constant 0 : i32
    %scan3A_57 = arith.constant 0 : i32
    %scan3A_58 = arith.constant 8 : i32
    %scan3A_59 = arith.addi %scan3A_57, %scan3A_58 : i32
    %scan3A_60 = arith.constant 1 : i32
    scf.for %scan3A_300 = %scan3A_57 to %scan3A_59 step %scan3A_60  : i32 {
      %mul3A_301 = arith.constant 16 : i32
      %mul3A_302 = arith.muli %scan3A_300, %mul3A_301 : i32
      %add3A_303 = arith.constant 0 : i32
      %add3A_304 = arith.addi %add3A_303, %mul3A_302 : i32
      %get3A = arith.constant 0 : i32
      %get3A_305 = arith.index_cast %get3A : i32 to index
      %get3A_306 = arith.index_cast %add3A_304 : i32 to index
      %get3A_307 = tpu.vector_load %arg5[%get3A_305, %get3A_306] {strides = array<i32>} : memref<3x512xi32, #tpu.memory_space<vmem>>, vector<1x16xi32>,
      %get3A_308 = vector.shape_cast %get3A_307 : vector<1x16xi32> to vector<16xi32>
      %ge3A = arith.constant 250000 : i32
      %ge3A_309 = vector.broadcast %ge3A : i32 to vector<16xi32>
      %ge3A_310 = arith.cmpi sge, %get3A_308, %ge3A_309 : vector<16xi32>
      %lt3A = arith.constant 500000 : i32
      %lt3A_311 = vector.broadcast %lt3A : i32 to vector<16xi32>
      %lt3A_312 = arith.cmpi slt, %get3A_308, %lt3A_311 : vector<16xi32>
      %and3A = arith.andi %ge3A_310, %lt3A_312 : vector<16xi1>
      %sub3A = arith.constant 250000 : i32
      %sub3A_313 = vector.broadcast %sub3A : i32 to vector<16xi32>
      %sub3A_314 = arith.subi %get3A_308, %sub3A_313 : vector<16xi32>
      %and3A_315 = arith.constant 8191 : i32
      %and3A_316 = vector.broadcast %and3A_315 : i32 to vector<16xi32>
      %and3A_317 = arith.andi %get3A_308, %and3A_316 : vector<16xi32>
      %add3A_318 = arith.constant 250000 : i32
      %add3A_319 = vector.broadcast %add3A_318 : i32 to vector<16xi32>
      %add3A_320 = arith.addi %add3A_319, %and3A_317 : vector<16xi32>
      %select_n3A = arith.select %and3A, %sub3A_314, %add3A_320 : vector<16xi1>, vector<16xi32>
      %mul3A_321 = arith.constant 16 : i32
      %mul3A_322 = arith.muli %scan3A_300, %mul3A_321 : i32
      %swap3A = arith.constant 0 : i32
      %swap3A_323 = arith.constant 0 : i32
      %swap3A_324 = arith.index_cast %swap3A : i32 to index
      %swap3A_325 = arith.index_cast %swap3A_323 : i32 to index
      %swap3A_326 = arith.index_cast %mul3A_322 : i32 to index
      %swap3A_327 = tpu.vector_load %arg6[%swap3A_324, %swap3A_325, %swap3A_326] {strides = array<i32>} : memref<3x4x128xi32, #tpu.memory_space<vmem>>, vector<1x1x16xi32>,
      %swap3A_328 = vector.shape_cast %swap3A_327 : vector<1x1x16xi32> to vector<16xi32>
      %swap3A_329 = vector.shape_cast %select_n3A : vector<16xi32> to vector<1x1x16xi32>
      tpu.vector_store %arg6[%swap3A_324, %swap3A_325, %swap3A_326], %swap3A_329 {strides = array<i32>} : memref<3x4x128xi32, #tpu.memory_space<vmem>>, vector<1x1x16xi32>,
    }
    %scan3A_61 = arith.constant 8 : i32
    %dma_start3A_62 = arith.constant 0 : i32
    %dma_start3A_63 = arith.constant 0 : i32
    %dma_start3A_64 = arith.constant 0 : i32
    %dma_start3A_65 = arith.constant 0 : i32
    %dma_start3A_66 = arith.constant 0 : i32
    %dma_start3A_67 = arith.constant 0 : i32
    %dma_start3A_68 = tpu.memref_slice %arg7[%dma_start3A_64, %dma_start3A_66, %dma_start3A_67] : memref<3x512x64xf32, #tpu.memory_space<vmem>> -> memref<1x128x64xf32, #tpu.memory_space<vmem>>
    %dma_start3A_69 = tpu.memref_squeeze %dma_start3A_68 : memref<1x128x64xf32, #tpu.memory_space<vmem>> -> memref<128x64xf32, #tpu.memory_space<vmem>>
    %dma_start3A_70 = arith.constant 0 : i32
    %dma_start3A_71 = tpu.memref_slice %arg6[%dma_start3A_62, %dma_start3A_63, %dma_start3A_70] : memref<3x4x128xi32, #tpu.memory_space<vmem>> -> memref<1x1x128xi32, #tpu.memory_space<vmem>>
    %dma_start3A_72 = tpu.memref_squeeze %dma_start3A_71 : memref<1x1x128xi32, #tpu.memory_space<vmem>> -> memref<128xi32, #tpu.memory_space<vmem>>
    %dma_start3A_73 = arith.constant 0 : i32
    %dma_start3A_74 = arith.constant 0 : i32
    %dma_start3A_75 = tpu.memref_slice %arg3[%dma_start3A_73, %dma_start3A_74] : memref<258192x64xf32, #tpu.memory_space<hbm>> -> memref<258192x64xf32, #tpu.memory_space<hbm>>
    %dma_start3A_76 = tpu.memref_slice %arg9[%dma_start3A_65] : memref<3x!tpu.dma_semaphore, #tpu.memory_space<semaphore_mem>> -> memref<1x!tpu.dma_semaphore, #tpu.memory_space<semaphore_mem>>
    %dma_start3A_77 = tpu.memref_squeeze %dma_start3A_76 : memref<1x!tpu.dma_semaphore, #tpu.memory_space<semaphore_mem>> -> memref<!tpu.dma_semaphore, #tpu.memory_space<semaphore_mem>>
    tpu.enqueue_indirect_dma source(%dma_start3A_75 : memref<258192x64xf32, #tpu.memory_space<hbm>>) target(%dma_start3A_69 : memref<128x64xf32, #tpu.memory_space<vmem>>) offsets(%dma_start3A_72 : memref<128xi32, #tpu.memory_space<vmem>>) semaphore(%dma_start3A_77 : memref<!tpu.dma_semaphore, #tpu.memory_space<semaphore_mem>>)
    %scan3A_78 = arith.constant 0 : i32
    %scan3A_79 = arith.constant 0 : i32
    %scan3A_80 = arith.constant 8 : i32
    %scan3A_81 = arith.addi %scan3A_79, %scan3A_80 : i32
    %scan3A_82 = arith.constant 1 : i32
    scf.for %scan3A_300 = %scan3A_79 to %scan3A_81 step %scan3A_82  : i32 {
      %mul3A_301 = arith.constant 16 : i32
      %mul3A_302 = arith.muli %scan3A_300, %mul3A_301 : i32
      %add3A_303 = arith.constant 128 : i32
      %add3A_304 = arith.addi %add3A_303, %mul3A_302 : i32
      %get3A = arith.constant 0 : i32
      %get3A_305 = arith.index_cast %get3A : i32 to index
      %get3A_306 = arith.index_cast %add3A_304 : i32 to index
      %get3A_307 = tpu.vector_load %arg5[%get3A_305, %get3A_306] {strides = array<i32>} : memref<3x512xi32, #tpu.memory_space<vmem>>, vector<1x16xi32>,
      %get3A_308 = vector.shape_cast %get3A_307 : vector<1x16xi32> to vector<16xi32>
      %ge3A = arith.constant 250000 : i32
      %ge3A_309 = vector.broadcast %ge3A : i32 to vector<16xi32>
      %ge3A_310 = arith.cmpi sge, %get3A_308, %ge3A_309 : vector<16xi32>
      %lt3A = arith.constant 500000 : i32
      %lt3A_311 = vector.broadcast %lt3A : i32 to vector<16xi32>
      %lt3A_312 = arith.cmpi slt, %get3A_308, %lt3A_311 : vector<16xi32>
      %and3A = arith.andi %ge3A_310, %lt3A_312 : vector<16xi1>
      %sub3A = arith.constant 250000 : i32
      %sub3A_313 = vector.broadcast %sub3A : i32 to vector<16xi32>
      %sub3A_314 = arith.subi %get3A_308, %sub3A_313 : vector<16xi32>
      %and3A_315 = arith.constant 8191 : i32
      %and3A_316 = vector.broadcast %and3A_315 : i32 to vector<16xi32>
      %and3A_317 = arith.andi %get3A_308, %and3A_316 : vector<16xi32>
      %add3A_318 = arith.constant 250000 : i32
      %add3A_319 = vector.broadcast %add3A_318 : i32 to vector<16xi32>
      %add3A_320 = arith.addi %add3A_319, %and3A_317 : vector<16xi32>
      %select_n3A = arith.select %and3A, %sub3A_314, %add3A_320 : vector<16xi1>, vector<16xi32>
      %mul3A_321 = arith.constant 16 : i32
      %mul3A_322 = arith.muli %scan3A_300, %mul3A_321 : i32
      %swap3A = arith.constant 0 : i32
      %swap3A_323 = arith.constant 1 : i32
      %swap3A_324 = arith.index_cast %swap3A : i32 to index
      %swap3A_325 = arith.index_cast %swap3A_323 : i32 to index
      %swap3A_326 = arith.index_cast %mul3A_322 : i32 to index
      %swap3A_327 = tpu.vector_load %arg6[%swap3A_324, %swap3A_325, %swap3A_326] {strides = array<i32>} : memref<3x4x128xi32, #tpu.memory_space<vmem>>, vector<1x1x16xi32>,
      %swap3A_328 = vector.shape_cast %swap3A_327 : vector<1x1x16xi32> to vector<16xi32>
      %swap3A_329 = vector.shape_cast %select_n3A : vector<16xi32> to vector<1x1x16xi32>
      tpu.vector_store %arg6[%swap3A_324, %swap3A_325, %swap3A_326], %swap3A_329 {strides = array<i32>} : memref<3x4x128xi32, #tpu.memory_space<vmem>>, vector<1x1x16xi32>,
    }
    %scan3A_83 = arith.constant 8 : i32
    %dma_start3A_84 = arith.constant 0 : i32
    %dma_start3A_85 = arith.constant 1 : i32
    %dma_start3A_86 = arith.constant 0 : i32
    %dma_start3A_87 = arith.constant 0 : i32
    %dma_start3A_88 = arith.constant 128 : i32
    %dma_start3A_89 = arith.constant 0 : i32
    %dma_start3A_90 = tpu.memref_slice %arg7[%dma_start3A_86, %dma_start3A_88, %dma_start3A_89] : memref<3x512x64xf32, #tpu.memory_space<vmem>> -> memref<1x128x64xf32, #tpu.memory_space<vmem>>
    %dma_start3A_91 = tpu.memref_squeeze %dma_start3A_90 : memref<1x128x64xf32, #tpu.memory_space<vmem>> -> memref<128x64xf32, #tpu.memory_space<vmem>>
    %dma_start3A_92 = arith.constant 0 : i32
    %dma_start3A_93 = tpu.memref_slice %arg6[%dma_start3A_84, %dma_start3A_85, %dma_start3A_92] : memref<3x4x128xi32, #tpu.memory_space<vmem>> -> memref<1x1x128xi32, #tpu.memory_space<vmem>>
    %dma_start3A_94 = tpu.memref_squeeze %dma_start3A_93 : memref<1x1x128xi32, #tpu.memory_space<vmem>> -> memref<128xi32, #tpu.memory_space<vmem>>
    %dma_start3A_95 = arith.constant 0 : i32
    %dma_start3A_96 = arith.constant 0 : i32
    %dma_start3A_97 = tpu.memref_slice %arg3[%dma_start3A_95, %dma_start3A_96] : memref<258192x64xf32, #tpu.memory_space<hbm>> -> memref<258192x64xf32, #tpu.memory_space<hbm>>
    %dma_start3A_98 = tpu.memref_slice %arg9[%dma_start3A_87] : memref<3x!tpu.dma_semaphore, #tpu.memory_space<semaphore_mem>> -> memref<1x!tpu.dma_semaphore, #tpu.memory_space<semaphore_mem>>
    %dma_start3A_99 = tpu.memref_squeeze %dma_start3A_98 : memref<1x!tpu.dma_semaphore, #tpu.memory_space<semaphore_mem>> -> memref<!tpu.dma_semaphore, #tpu.memory_space<semaphore_mem>>
    tpu.enqueue_indirect_dma source(%dma_start3A_97 : memref<258192x64xf32, #tpu.memory_space<hbm>>) target(%dma_start3A_91 : memref<128x64xf32, #tpu.memory_space<vmem>>) offsets(%dma_start3A_94 : memref<128xi32, #tpu.memory_space<vmem>>) semaphore(%dma_start3A_99 : memref<!tpu.dma_semaphore, #tpu.memory_space<semaphore_mem>>)
    %scan3A_100 = arith.constant 0 : i32
    %scan3A_101 = arith.constant 0 : i32
    %scan3A_102 = arith.constant 8 : i32
    %scan3A_103 = arith.addi %scan3A_101, %scan3A_102 : i32
    %scan3A_104 = arith.constant 1 : i32
    scf.for %scan3A_300 = %scan3A_101 to %scan3A_103 step %scan3A_104  : i32 {
      %mul3A_301 = arith.constant 16 : i32
      %mul3A_302 = arith.muli %scan3A_300, %mul3A_301 : i32
      %add3A_303 = arith.constant 256 : i32
      %add3A_304 = arith.addi %add3A_303, %mul3A_302 : i32
      %get3A = arith.constant 0 : i32
      %get3A_305 = arith.index_cast %get3A : i32 to index
      %get3A_306 = arith.index_cast %add3A_304 : i32 to index
      %get3A_307 = tpu.vector_load %arg5[%get3A_305, %get3A_306] {strides = array<i32>} : memref<3x512xi32, #tpu.memory_space<vmem>>, vector<1x16xi32>,
      %get3A_308 = vector.shape_cast %get3A_307 : vector<1x16xi32> to vector<16xi32>
      %ge3A = arith.constant 250000 : i32
      %ge3A_309 = vector.broadcast %ge3A : i32 to vector<16xi32>
      %ge3A_310 = arith.cmpi sge, %get3A_308, %ge3A_309 : vector<16xi32>
      %lt3A = arith.constant 500000 : i32
      %lt3A_311 = vector.broadcast %lt3A : i32 to vector<16xi32>
      %lt3A_312 = arith.cmpi slt, %get3A_308, %lt3A_311 : vector<16xi32>
      %and3A = arith.andi %ge3A_310, %lt3A_312 : vector<16xi1>
      %sub3A = arith.constant 250000 : i32
      %sub3A_313 = vector.broadcast %sub3A : i32 to vector<16xi32>
      %sub3A_314 = arith.subi %get3A_308, %sub3A_313 : vector<16xi32>
      %and3A_315 = arith.constant 8191 : i32
      %and3A_316 = vector.broadcast %and3A_315 : i32 to vector<16xi32>
      %and3A_317 = arith.andi %get3A_308, %and3A_316 : vector<16xi32>
      %add3A_318 = arith.constant 250000 : i32
      %add3A_319 = vector.broadcast %add3A_318 : i32 to vector<16xi32>
      %add3A_320 = arith.addi %add3A_319, %and3A_317 : vector<16xi32>
      %select_n3A = arith.select %and3A, %sub3A_314, %add3A_320 : vector<16xi1>, vector<16xi32>
      %mul3A_321 = arith.constant 16 : i32
      %mul3A_322 = arith.muli %scan3A_300, %mul3A_321 : i32
      %swap3A = arith.constant 0 : i32
      %swap3A_323 = arith.constant 2 : i32
      %swap3A_324 = arith.index_cast %swap3A : i32 to index
      %swap3A_325 = arith.index_cast %swap3A_323 : i32 to index
      %swap3A_326 = arith.index_cast %mul3A_322 : i32 to index
      %swap3A_327 = tpu.vector_load %arg6[%swap3A_324, %swap3A_325, %swap3A_326] {strides = array<i32>} : memref<3x4x128xi32, #tpu.memory_space<vmem>>, vector<1x1x16xi32>,
      %swap3A_328 = vector.shape_cast %swap3A_327 : vector<1x1x16xi32> to vector<16xi32>
      %swap3A_329 = vector.shape_cast %select_n3A : vector<16xi32> to vector<1x1x16xi32>
      tpu.vector_store %arg6[%swap3A_324, %swap3A_325, %swap3A_326], %swap3A_329 {strides = array<i32>} : memref<3x4x128xi32, #tpu.memory_space<vmem>>, vector<1x1x16xi32>,
    }
    %scan3A_105 = arith.constant 8 : i32
    %dma_start3A_106 = arith.constant 0 : i32
    %dma_start3A_107 = arith.constant 2 : i32
    %dma_start3A_108 = arith.constant 0 : i32
    %dma_start3A_109 = arith.constant 0 : i32
    %dma_start3A_110 = arith.constant 256 : i32
    %dma_start3A_111 = arith.constant 0 : i32
    %dma_start3A_112 = tpu.memref_slice %arg7[%dma_start3A_108, %dma_start3A_110, %dma_start3A_111] : memref<3x512x64xf32, #tpu.memory_space<vmem>> -> memref<1x128x64xf32, #tpu.memory_space<vmem>>
    %dma_start3A_113 = tpu.memref_squeeze %dma_start3A_112 : memref<1x128x64xf32, #tpu.memory_space<vmem>> -> memref<128x64xf32, #tpu.memory_space<vmem>>
    %dma_start3A_114 = arith.constant 0 : i32
    %dma_start3A_115 = tpu.memref_slice %arg6[%dma_start3A_106, %dma_start3A_107, %dma_start3A_114] : memref<3x4x128xi32, #tpu.memory_space<vmem>> -> memref<1x1x128xi32, #tpu.memory_space<vmem>>
    %dma_start3A_116 = tpu.memref_squeeze %dma_start3A_115 : memref<1x1x128xi32, #tpu.memory_space<vmem>> -> memref<128xi32, #tpu.memory_space<vmem>>
    %dma_start3A_117 = arith.constant 0 : i32
    %dma_start3A_118 = arith.constant 0 : i32
    %dma_start3A_119 = tpu.memref_slice %arg3[%dma_start3A_117, %dma_start3A_118] : memref<258192x64xf32, #tpu.memory_space<hbm>> -> memref<258192x64xf32, #tpu.memory_space<hbm>>
    %dma_start3A_120 = tpu.memref_slice %arg9[%dma_start3A_109] : memref<3x!tpu.dma_semaphore, #tpu.memory_space<semaphore_mem>> -> memref<1x!tpu.dma_semaphore, #tpu.memory_space<semaphore_mem>>
    %dma_start3A_121 = tpu.memref_squeeze %dma_start3A_120 : memref<1x!tpu.dma_semaphore, #tpu.memory_space<semaphore_mem>> -> memref<!tpu.dma_semaphore, #tpu.memory_space<semaphore_mem>>
    tpu.enqueue_indirect_dma source(%dma_start3A_119 : memref<258192x64xf32, #tpu.memory_space<hbm>>) target(%dma_start3A_113 : memref<128x64xf32, #tpu.memory_space<vmem>>) offsets(%dma_start3A_116 : memref<128xi32, #tpu.memory_space<vmem>>) semaphore(%dma_start3A_121 : memref<!tpu.dma_semaphore, #tpu.memory_space<semaphore_mem>>)
    %scan3A_122 = arith.constant 0 : i32
    %scan3A_123 = arith.constant 0 : i32
    %scan3A_124 = arith.constant 8 : i32
    %scan3A_125 = arith.addi %scan3A_123, %scan3A_124 : i32
    %scan3A_126 = arith.constant 1 : i32
    scf.for %scan3A_300 = %scan3A_123 to %scan3A_125 step %scan3A_126  : i32 {
      %mul3A_301 = arith.constant 16 : i32
      %mul3A_302 = arith.muli %scan3A_300, %mul3A_301 : i32
      %add3A_303 = arith.constant 384 : i32
      %add3A_304 = arith.addi %add3A_303, %mul3A_302 : i32
      %get3A = arith.constant 0 : i32
      %get3A_305 = arith.index_cast %get3A : i32 to index
      %get3A_306 = arith.index_cast %add3A_304 : i32 to index
      %get3A_307 = tpu.vector_load %arg5[%get3A_305, %get3A_306] {strides = array<i32>} : memref<3x512xi32, #tpu.memory_space<vmem>>, vector<1x16xi32>,
      %get3A_308 = vector.shape_cast %get3A_307 : vector<1x16xi32> to vector<16xi32>
      %ge3A = arith.constant 250000 : i32
      %ge3A_309 = vector.broadcast %ge3A : i32 to vector<16xi32>
      %ge3A_310 = arith.cmpi sge, %get3A_308, %ge3A_309 : vector<16xi32>
      %lt3A = arith.constant 500000 : i32
      %lt3A_311 = vector.broadcast %lt3A : i32 to vector<16xi32>
      %lt3A_312 = arith.cmpi slt, %get3A_308, %lt3A_311 : vector<16xi32>
      %and3A = arith.andi %ge3A_310, %lt3A_312 : vector<16xi1>
      %sub3A = arith.constant 250000 : i32
      %sub3A_313 = vector.broadcast %sub3A : i32 to vector<16xi32>
      %sub3A_314 = arith.subi %get3A_308, %sub3A_313 : vector<16xi32>
      %and3A_315 = arith.constant 8191 : i32
      %and3A_316 = vector.broadcast %and3A_315 : i32 to vector<16xi32>
      %and3A_317 = arith.andi %get3A_308, %and3A_316 : vector<16xi32>
      %add3A_318 = arith.constant 250000 : i32
      %add3A_319 = vector.broadcast %add3A_318 : i32 to vector<16xi32>
      %add3A_320 = arith.addi %add3A_319, %and3A_317 : vector<16xi32>
      %select_n3A = arith.select %and3A, %sub3A_314, %add3A_320 : vector<16xi1>, vector<16xi32>
      %mul3A_321 = arith.constant 16 : i32
      %mul3A_322 = arith.muli %scan3A_300, %mul3A_321 : i32
      %swap3A = arith.constant 0 : i32
      %swap3A_323 = arith.constant 3 : i32
      %swap3A_324 = arith.index_cast %swap3A : i32 to index
      %swap3A_325 = arith.index_cast %swap3A_323 : i32 to index
      %swap3A_326 = arith.index_cast %mul3A_322 : i32 to index
      %swap3A_327 = tpu.vector_load %arg6[%swap3A_324, %swap3A_325, %swap3A_326] {strides = array<i32>} : memref<3x4x128xi32, #tpu.memory_space<vmem>>, vector<1x1x16xi32>,
      %swap3A_328 = vector.shape_cast %swap3A_327 : vector<1x1x16xi32> to vector<16xi32>
      %swap3A_329 = vector.shape_cast %select_n3A : vector<16xi32> to vector<1x1x16xi32>
      tpu.vector_store %arg6[%swap3A_324, %swap3A_325, %swap3A_326], %swap3A_329 {strides = array<i32>} : memref<3x4x128xi32, #tpu.memory_space<vmem>>, vector<1x1x16xi32>,
    }
    %scan3A_127 = arith.constant 8 : i32
    %dma_start3A_128 = arith.constant 0 : i32
    %dma_start3A_129 = arith.constant 3 : i32
    %dma_start3A_130 = arith.constant 0 : i32
    %dma_start3A_131 = arith.constant 0 : i32
    %dma_start3A_132 = arith.constant 384 : i32
    %dma_start3A_133 = arith.constant 0 : i32
    %dma_start3A_134 = tpu.memref_slice %arg7[%dma_start3A_130, %dma_start3A_132, %dma_start3A_133] : memref<3x512x64xf32, #tpu.memory_space<vmem>> -> memref<1x128x64xf32, #tpu.memory_space<vmem>>
    %dma_start3A_135 = tpu.memref_squeeze %dma_start3A_134 : memref<1x128x64xf32, #tpu.memory_space<vmem>> -> memref<128x64xf32, #tpu.memory_space<vmem>>
    %dma_start3A_136 = arith.constant 0 : i32
    %dma_start3A_137 = tpu.memref_slice %arg6[%dma_start3A_128, %dma_start3A_129, %dma_start3A_136] : memref<3x4x128xi32, #tpu.memory_space<vmem>> -> memref<1x1x128xi32, #tpu.memory_space<vmem>>
    %dma_start3A_138 = tpu.memref_squeeze %dma_start3A_137 : memref<1x1x128xi32, #tpu.memory_space<vmem>> -> memref<128xi32, #tpu.memory_space<vmem>>
    %dma_start3A_139 = arith.constant 0 : i32
    %dma_start3A_140 = arith.constant 0 : i32
    %dma_start3A_141 = tpu.memref_slice %arg3[%dma_start3A_139, %dma_start3A_140] : memref<258192x64xf32, #tpu.memory_space<hbm>> -> memref<258192x64xf32, #tpu.memory_space<hbm>>
    %dma_start3A_142 = tpu.memref_slice %arg9[%dma_start3A_131] : memref<3x!tpu.dma_semaphore, #tpu.memory_space<semaphore_mem>> -> memref<1x!tpu.dma_semaphore, #tpu.memory_space<semaphore_mem>>
    %dma_start3A_143 = tpu.memref_squeeze %dma_start3A_142 : memref<1x!tpu.dma_semaphore, #tpu.memory_space<semaphore_mem>> -> memref<!tpu.dma_semaphore, #tpu.memory_space<semaphore_mem>>
    tpu.enqueue_indirect_dma source(%dma_start3A_141 : memref<258192x64xf32, #tpu.memory_space<hbm>>) target(%dma_start3A_135 : memref<128x64xf32, #tpu.memory_space<vmem>>) offsets(%dma_start3A_138 : memref<128xi32, #tpu.memory_space<vmem>>) semaphore(%dma_start3A_143 : memref<!tpu.dma_semaphore, #tpu.memory_space<semaphore_mem>>)
    %add3A_144 = arith.constant 512 : i32
    %add3A_145 = arith.addi %mul3A_2, %add3A_144 : i32
    %dma_wait3A_146 = arith.constant 1 : i32
    %dma_wait3A_147 = arith.constant 1 : i32
    %dma_wait3A_148 = arith.constant 0 : i32
    %dma_wait3A_149 = tpu.memref_slice %arg5[%dma_wait3A_146, %dma_wait3A_148] : memref<3x512xi32, #tpu.memory_space<vmem>> -> memref<1x512xi32, #tpu.memory_space<vmem>>
    %dma_wait3A_150 = tpu.memref_squeeze %dma_wait3A_149 : memref<1x512xi32, #tpu.memory_space<vmem>> -> memref<512xi32, #tpu.memory_space<vmem>>
    %dma_wait3A_151 = tpu.memref_slice %arg2[%add3A_145] : memref<819200xi32, #tpu.memory_space<hbm>> -> memref<512xi32, #tpu.memory_space<hbm>>
    %dma_wait3A_152 = tpu.memref_slice %arg8[%dma_wait3A_147] : memref<3x!tpu.dma_semaphore, #tpu.memory_space<semaphore_mem>> -> memref<1x!tpu.dma_semaphore, #tpu.memory_space<semaphore_mem>>
    %dma_wait3A_153 = tpu.memref_squeeze %dma_wait3A_152 : memref<1x!tpu.dma_semaphore, #tpu.memory_space<semaphore_mem>> -> memref<!tpu.dma_semaphore, #tpu.memory_space<semaphore_mem>>
    %dma_wait3A_154 = arith.constant 0 : i32
    %dma_wait3A_155 = tpu.memref_slice %arg5[%dma_wait3A_146, %dma_wait3A_154] : memref<3x512xi32, #tpu.memory_space<vmem>> -> memref<1x512xi32, #tpu.memory_space<vmem>>
    %dma_wait3A_156 = tpu.memref_squeeze %dma_wait3A_155 : memref<1x512xi32, #tpu.memory_space<vmem>> -> memref<512xi32, #tpu.memory_space<vmem>>
    %dma_wait3A_157 = tpu.memref_slice %arg2[%add3A_145] : memref<819200xi32, #tpu.memory_space<hbm>> -> memref<512xi32, #tpu.memory_space<hbm>>
    tpu.wait_dma2 semaphore(%dma_wait3A_153 : memref<!tpu.dma_semaphore, #tpu.memory_space<semaphore_mem>>) src(%dma_wait3A_157 : memref<512xi32, #tpu.memory_space<hbm>>) dst(%dma_wait3A_156 : memref<512xi32, #tpu.memory_space<vmem>>)
    %scan3A_158 = arith.constant 0 : i32
    %scan3A_159 = arith.constant 0 : i32
    %scan3A_160 = arith.constant 8 : i32
    %scan3A_161 = arith.addi %scan3A_159, %scan3A_160 : i32
    %scan3A_162 = arith.constant 1 : i32
    scf.for %scan3A_300 = %scan3A_159 to %scan3A_161 step %scan3A_162  : i32 {
      %mul3A_301 = arith.constant 16 : i32
      %mul3A_302 = arith.muli %scan3A_300, %mul3A_301 : i32
      %add3A_303 = arith.constant 0 : i32
      %add3A_304 = arith.addi %add3A_303, %mul3A_302 : i32
      %get3A = arith.constant 1 : i32
      %get3A_305 = arith.index_cast %get3A : i32 to index
      %get3A_306 = arith.index_cast %add3A_304 : i32 to index
      %get3A_307 = tpu.vector_load %arg5[%get3A_305, %get3A_306] {strides = array<i32>} : memref<3x512xi32, #tpu.memory_space<vmem>>, vector<1x16xi32>,
      %get3A_308 = vector.shape_cast %get3A_307 : vector<1x16xi32> to vector<16xi32>
      %ge3A = arith.constant 250000 : i32
      %ge3A_309 = vector.broadcast %ge3A : i32 to vector<16xi32>
      %ge3A_310 = arith.cmpi sge, %get3A_308, %ge3A_309 : vector<16xi32>
      %lt3A = arith.constant 500000 : i32
      %lt3A_311 = vector.broadcast %lt3A : i32 to vector<16xi32>
      %lt3A_312 = arith.cmpi slt, %get3A_308, %lt3A_311 : vector<16xi32>
      %and3A = arith.andi %ge3A_310, %lt3A_312 : vector<16xi1>
      %sub3A = arith.constant 250000 : i32
      %sub3A_313 = vector.broadcast %sub3A : i32 to vector<16xi32>
      %sub3A_314 = arith.subi %get3A_308, %sub3A_313 : vector<16xi32>
      %and3A_315 = arith.constant 8191 : i32
      %and3A_316 = vector.broadcast %and3A_315 : i32 to vector<16xi32>
      %and3A_317 = arith.andi %get3A_308, %and3A_316 : vector<16xi32>
      %add3A_318 = arith.constant 250000 : i32
      %add3A_319 = vector.broadcast %add3A_318 : i32 to vector<16xi32>
      %add3A_320 = arith.addi %add3A_319, %and3A_317 : vector<16xi32>
      %select_n3A = arith.select %and3A, %sub3A_314, %add3A_320 : vector<16xi1>, vector<16xi32>
      %mul3A_321 = arith.constant 16 : i32
      %mul3A_322 = arith.muli %scan3A_300, %mul3A_321 : i32
      %swap3A = arith.constant 1 : i32
      %swap3A_323 = arith.constant 0 : i32
      %swap3A_324 = arith.index_cast %swap3A : i32 to index
      %swap3A_325 = arith.index_cast %swap3A_323 : i32 to index
      %swap3A_326 = arith.index_cast %mul3A_322 : i32 to index
      %swap3A_327 = tpu.vector_load %arg6[%swap3A_324, %swap3A_325, %swap3A_326] {strides = array<i32>} : memref<3x4x128xi32, #tpu.memory_space<vmem>>, vector<1x1x16xi32>,
      %swap3A_328 = vector.shape_cast %swap3A_327 : vector<1x1x16xi32> to vector<16xi32>
      %swap3A_329 = vector.shape_cast %select_n3A : vector<16xi32> to vector<1x1x16xi32>
      tpu.vector_store %arg6[%swap3A_324, %swap3A_325, %swap3A_326], %swap3A_329 {strides = array<i32>} : memref<3x4x128xi32, #tpu.memory_space<vmem>>, vector<1x1x16xi32>,
    }
    %scan3A_163 = arith.constant 8 : i32
    %dma_start3A_164 = arith.constant 1 : i32
    %dma_start3A_165 = arith.constant 0 : i32
    %dma_start3A_166 = arith.constant 1 : i32
    %dma_start3A_167 = arith.constant 1 : i32
    %dma_start3A_168 = arith.constant 0 : i32
    %dma_start3A_169 = arith.constant 0 : i32
    %dma_start3A_170 = tpu.memref_slice %arg7[%dma_start3A_166, %dma_start3A_168, %dma_start3A_169] : memref<3x512x64xf32, #tpu.memory_space<vmem>> -> memref<1x128x64xf32, #tpu.memory_space<vmem>>
    %dma_start3A_171 = tpu.memref_squeeze %dma_start3A_170 : memref<1x128x64xf32, #tpu.memory_space<vmem>> -> memref<128x64xf32, #tpu.memory_space<vmem>>
    %dma_start3A_172 = arith.constant 0 : i32
    %dma_start3A_173 = tpu.memref_slice %arg6[%dma_start3A_164, %dma_start3A_165, %dma_start3A_172] : memref<3x4x128xi32, #tpu.memory_space<vmem>> -> memref<1x1x128xi32, #tpu.memory_space<vmem>>
    %dma_start3A_174 = tpu.memref_squeeze %dma_start3A_173 : memref<1x1x128xi32, #tpu.memory_space<vmem>> -> memref<128xi32, #tpu.memory_space<vmem>>
    %dma_start3A_175 = arith.constant 0 : i32
    %dma_start3A_176 = arith.constant 0 : i32
    %dma_start3A_177 = tpu.memref_slice %arg3[%dma_start3A_175, %dma_start3A_176] : memref<258192x64xf32, #tpu.memory_space<hbm>> -> memref<258192x64xf32, #tpu.memory_space<hbm>>
    %dma_start3A_178 = tpu.memref_slice %arg9[%dma_start3A_167] : memref<3x!tpu.dma_semaphore, #tpu.memory_space<semaphore_mem>> -> memref<1x!tpu.dma_semaphore, #tpu.memory_space<semaphore_mem>>
    %dma_start3A_179 = tpu.memref_squeeze %dma_start3A_178 : memref<1x!tpu.dma_semaphore, #tpu.memory_space<semaphore_mem>> -> memref<!tpu.dma_semaphore, #tpu.memory_space<semaphore_mem>>
    tpu.enqueue_indirect_dma source(%dma_start3A_177 : memref<258192x64xf32, #tpu.memory_space<hbm>>) target(%dma_start3A_171 : memref<128x64xf32, #tpu.memory_space<vmem>>) offsets(%dma_start3A_174 : memref<128xi32, #tpu.memory_space<vmem>>) semaphore(%dma_start3A_179 : memref<!tpu.dma_semaphore, #tpu.memory_space<semaphore_mem>>)
    %scan3A_180 = arith.constant 0 : i32
    %scan3A_181 = arith.constant 0 : i32
    %scan3A_182 = arith.constant 8 : i32
    %scan3A_183 = arith.addi %scan3A_181, %scan3A_182 : i32
    %scan3A_184 = arith.constant 1 : i32
    scf.for %scan3A_300 = %scan3A_181 to %scan3A_183 step %scan3A_184  : i32 {
      %mul3A_301 = arith.constant 16 : i32
      %mul3A_302 = arith.muli %scan3A_300, %mul3A_301 : i32
      %add3A_303 = arith.constant 128 : i32
      %add3A_304 = arith.addi %add3A_303, %mul3A_302 : i32
      %get3A = arith.constant 1 : i32
      %get3A_305 = arith.index_cast %get3A : i32 to index
      %get3A_306 = arith.index_cast %add3A_304 : i32 to index
      %get3A_307 = tpu.vector_load %arg5[%get3A_305, %get3A_306] {strides = array<i32>} : memref<3x512xi32, #tpu.memory_space<vmem>>, vector<1x16xi32>,
      %get3A_308 = vector.shape_cast %get3A_307 : vector<1x16xi32> to vector<16xi32>
      %ge3A = arith.constant 250000 : i32
      %ge3A_309 = vector.broadcast %ge3A : i32 to vector<16xi32>
      %ge3A_310 = arith.cmpi sge, %get3A_308, %ge3A_309 : vector<16xi32>
      %lt3A = arith.constant 500000 : i32
      %lt3A_311 = vector.broadcast %lt3A : i32 to vector<16xi32>
      %lt3A_312 = arith.cmpi slt, %get3A_308, %lt3A_311 : vector<16xi32>
      %and3A = arith.andi %ge3A_310, %lt3A_312 : vector<16xi1>
      %sub3A = arith.constant 250000 : i32
      %sub3A_313 = vector.broadcast %sub3A : i32 to vector<16xi32>
      %sub3A_314 = arith.subi %get3A_308, %sub3A_313 : vector<16xi32>
      %and3A_315 = arith.constant 8191 : i32
      %and3A_316 = vector.broadcast %and3A_315 : i32 to vector<16xi32>
      %and3A_317 = arith.andi %get3A_308, %and3A_316 : vector<16xi32>
      %add3A_318 = arith.constant 250000 : i32
      %add3A_319 = vector.broadcast %add3A_318 : i32 to vector<16xi32>
      %add3A_320 = arith.addi %add3A_319, %and3A_317 : vector<16xi32>
      %select_n3A = arith.select %and3A, %sub3A_314, %add3A_320 : vector<16xi1>, vector<16xi32>
      %mul3A_321 = arith.constant 16 : i32
      %mul3A_322 = arith.muli %scan3A_300, %mul3A_321 : i32
      %swap3A = arith.constant 1 : i32
      %swap3A_323 = arith.constant 1 : i32
      %swap3A_324 = arith.index_cast %swap3A : i32 to index
      %swap3A_325 = arith.index_cast %swap3A_323 : i32 to index
      %swap3A_326 = arith.index_cast %mul3A_322 : i32 to index
      %swap3A_327 = tpu.vector_load %arg6[%swap3A_324, %swap3A_325, %swap3A_326] {strides = array<i32>} : memref<3x4x128xi32, #tpu.memory_space<vmem>>, vector<1x1x16xi32>,
      %swap3A_328 = vector.shape_cast %swap3A_327 : vector<1x1x16xi32> to vector<16xi32>
      %swap3A_329 = vector.shape_cast %select_n3A : vector<16xi32> to vector<1x1x16xi32>
      tpu.vector_store %arg6[%swap3A_324, %swap3A_325, %swap3A_326], %swap3A_329 {strides = array<i32>} : memref<3x4x128xi32, #tpu.memory_space<vmem>>, vector<1x1x16xi32>,
    }
    %scan3A_185 = arith.constant 8 : i32
    %dma_start3A_186 = arith.constant 1 : i32
    %dma_start3A_187 = arith.constant 1 : i32
    %dma_start3A_188 = arith.constant 1 : i32
    %dma_start3A_189 = arith.constant 1 : i32
    %dma_start3A_190 = arith.constant 128 : i32
    %dma_start3A_191 = arith.constant 0 : i32
    %dma_start3A_192 = tpu.memref_slice %arg7[%dma_start3A_188, %dma_start3A_190, %dma_start3A_191] : memref<3x512x64xf32, #tpu.memory_space<vmem>> -> memref<1x128x64xf32, #tpu.memory_space<vmem>>
    %dma_start3A_193 = tpu.memref_squeeze %dma_start3A_192 : memref<1x128x64xf32, #tpu.memory_space<vmem>> -> memref<128x64xf32, #tpu.memory_space<vmem>>
    %dma_start3A_194 = arith.constant 0 : i32
    %dma_start3A_195 = tpu.memref_slice %arg6[%dma_start3A_186, %dma_start3A_187, %dma_start3A_194] : memref<3x4x128xi32, #tpu.memory_space<vmem>> -> memref<1x1x128xi32, #tpu.memory_space<vmem>>
    %dma_start3A_196 = tpu.memref_squeeze %dma_start3A_195 : memref<1x1x128xi32, #tpu.memory_space<vmem>> -> memref<128xi32, #tpu.memory_space<vmem>>
    %dma_start3A_197 = arith.constant 0 : i32
    %dma_start3A_198 = arith.constant 0 : i32
    %dma_start3A_199 = tpu.memref_slice %arg3[%dma_start3A_197, %dma_start3A_198] : memref<258192x64xf32, #tpu.memory_space<hbm>> -> memref<258192x64xf32, #tpu.memory_space<hbm>>
    %dma_start3A_200 = tpu.memref_slice %arg9[%dma_start3A_189] : memref<3x!tpu.dma_semaphore, #tpu.memory_space<semaphore_mem>> -> memref<1x!tpu.dma_semaphore, #tpu.memory_space<semaphore_mem>>
    %dma_start3A_201 = tpu.memref_squeeze %dma_start3A_200 : memref<1x!tpu.dma_semaphore, #tpu.memory_space<semaphore_mem>> -> memref<!tpu.dma_semaphore, #tpu.memory_space<semaphore_mem>>
    tpu.enqueue_indirect_dma source(%dma_start3A_199 : memref<258192x64xf32, #tpu.memory_space<hbm>>) target(%dma_start3A_193 : memref<128x64xf32, #tpu.memory_space<vmem>>) offsets(%dma_start3A_196 : memref<128xi32, #tpu.memory_space<vmem>>) semaphore(%dma_start3A_201 : memref<!tpu.dma_semaphore, #tpu.memory_space<semaphore_mem>>)
    %scan3A_202 = arith.constant 0 : i32
    %scan3A_203 = arith.constant 0 : i32
    %scan3A_204 = arith.constant 8 : i32
    %scan3A_205 = arith.addi %scan3A_203, %scan3A_204 : i32
    %scan3A_206 = arith.constant 1 : i32
    scf.for %scan3A_300 = %scan3A_203 to %scan3A_205 step %scan3A_206  : i32 {
      %mul3A_301 = arith.constant 16 : i32
      %mul3A_302 = arith.muli %scan3A_300, %mul3A_301 : i32
      %add3A_303 = arith.constant 256 : i32
      %add3A_304 = arith.addi %add3A_303, %mul3A_302 : i32
      %get3A = arith.constant 1 : i32
      %get3A_305 = arith.index_cast %get3A : i32 to index
      %get3A_306 = arith.index_cast %add3A_304 : i32 to index
      %get3A_307 = tpu.vector_load %arg5[%get3A_305, %get3A_306] {strides = array<i32>} : memref<3x512xi32, #tpu.memory_space<vmem>>, vector<1x16xi32>,
      %get3A_308 = vector.shape_cast %get3A_307 : vector<1x16xi32> to vector<16xi32>
      %ge3A = arith.constant 250000 : i32
      %ge3A_309 = vector.broadcast %ge3A : i32 to vector<16xi32>
      %ge3A_310 = arith.cmpi sge, %get3A_308, %ge3A_309 : vector<16xi32>
      %lt3A = arith.constant 500000 : i32
      %lt3A_311 = vector.broadcast %lt3A : i32 to vector<16xi32>
      %lt3A_312 = arith.cmpi slt, %get3A_308, %lt3A_311 : vector<16xi32>
      %and3A = arith.andi %ge3A_310, %lt3A_312 : vector<16xi1>
      %sub3A = arith.constant 250000 : i32
      %sub3A_313 = vector.broadcast %sub3A : i32 to vector<16xi32>
      %sub3A_314 = arith.subi %get3A_308, %sub3A_313 : vector<16xi32>
      %and3A_315 = arith.constant 8191 : i32
      %and3A_316 = vector.broadcast %and3A_315 : i32 to vector<16xi32>
      %and3A_317 = arith.andi %get3A_308, %and3A_316 : vector<16xi32>
      %add3A_318 = arith.constant 250000 : i32
      %add3A_319 = vector.broadcast %add3A_318 : i32 to vector<16xi32>
      %add3A_320 = arith.addi %add3A_319, %and3A_317 : vector<16xi32>
      %select_n3A = arith.select %and3A, %sub3A_314, %add3A_320 : vector<16xi1>, vector<16xi32>
      %mul3A_321 = arith.constant 16 : i32
      %mul3A_322 = arith.muli %scan3A_300, %mul3A_321 : i32
      %swap3A = arith.constant 1 : i32
      %swap3A_323 = arith.constant 2 : i32
      %swap3A_324 = arith.index_cast %swap3A : i32 to index
      %swap3A_325 = arith.index_cast %swap3A_323 : i32 to index
      %swap3A_326 = arith.index_cast %mul3A_322 : i32 to index
      %swap3A_327 = tpu.vector_load %arg6[%swap3A_324, %swap3A_325, %swap3A_326] {strides = array<i32>} : memref<3x4x128xi32, #tpu.memory_space<vmem>>, vector<1x1x16xi32>,
      %swap3A_328 = vector.shape_cast %swap3A_327 : vector<1x1x16xi32> to vector<16xi32>
      %swap3A_329 = vector.shape_cast %select_n3A : vector<16xi32> to vector<1x1x16xi32>
      tpu.vector_store %arg6[%swap3A_324, %swap3A_325, %swap3A_326], %swap3A_329 {strides = array<i32>} : memref<3x4x128xi32, #tpu.memory_space<vmem>>, vector<1x1x16xi32>,
    }
    %scan3A_207 = arith.constant 8 : i32
    %dma_start3A_208 = arith.constant 1 : i32
    %dma_start3A_209 = arith.constant 2 : i32
    %dma_start3A_210 = arith.constant 1 : i32
    %dma_start3A_211 = arith.constant 1 : i32
    %dma_start3A_212 = arith.constant 256 : i32
    %dma_start3A_213 = arith.constant 0 : i32
    %dma_start3A_214 = tpu.memref_slice %arg7[%dma_start3A_210, %dma_start3A_212, %dma_start3A_213] : memref<3x512x64xf32, #tpu.memory_space<vmem>> -> memref<1x128x64xf32, #tpu.memory_space<vmem>>
    %dma_start3A_215 = tpu.memref_squeeze %dma_start3A_214 : memref<1x128x64xf32, #tpu.memory_space<vmem>> -> memref<128x64xf32, #tpu.memory_space<vmem>>
    %dma_start3A_216 = arith.constant 0 : i32
    %dma_start3A_217 = tpu.memref_slice %arg6[%dma_start3A_208, %dma_start3A_209, %dma_start3A_216] : memref<3x4x128xi32, #tpu.memory_space<vmem>> -> memref<1x1x128xi32, #tpu.memory_space<vmem>>
    %dma_start3A_218 = tpu.memref_squeeze %dma_start3A_217 : memref<1x1x128xi32, #tpu.memory_space<vmem>> -> memref<128xi32, #tpu.memory_space<vmem>>
    %dma_start3A_219 = arith.constant 0 : i32
    %dma_start3A_220 = arith.constant 0 : i32
    %dma_start3A_221 = tpu.memref_slice %arg3[%dma_start3A_219, %dma_start3A_220] : memref<258192x64xf32, #tpu.memory_space<hbm>> -> memref<258192x64xf32, #tpu.memory_space<hbm>>
    %dma_start3A_222 = tpu.memref_slice %arg9[%dma_start3A_211] : memref<3x!tpu.dma_semaphore, #tpu.memory_space<semaphore_mem>> -> memref<1x!tpu.dma_semaphore, #tpu.memory_space<semaphore_mem>>
    %dma_start3A_223 = tpu.memref_squeeze %dma_start3A_222 : memref<1x!tpu.dma_semaphore, #tpu.memory_space<semaphore_mem>> -> memref<!tpu.dma_semaphore, #tpu.memory_space<semaphore_mem>>
    tpu.enqueue_indirect_dma source(%dma_start3A_221 : memref<258192x64xf32, #tpu.memory_space<hbm>>) target(%dma_start3A_215 : memref<128x64xf32, #tpu.memory_space<vmem>>) offsets(%dma_start3A_218 : memref<128xi32, #tpu.memory_space<vmem>>) semaphore(%dma_start3A_223 : memref<!tpu.dma_semaphore, #tpu.memory_space<semaphore_mem>>)
    %scan3A_224 = arith.constant 0 : i32
    %scan3A_225 = arith.constant 0 : i32
    %scan3A_226 = arith.constant 8 : i32
    %scan3A_227 = arith.addi %scan3A_225, %scan3A_226 : i32
    %scan3A_228 = arith.constant 1 : i32
    scf.for %scan3A_300 = %scan3A_225 to %scan3A_227 step %scan3A_228  : i32 {
      %mul3A_301 = arith.constant 16 : i32
      %mul3A_302 = arith.muli %scan3A_300, %mul3A_301 : i32
      %add3A_303 = arith.constant 384 : i32
      %add3A_304 = arith.addi %add3A_303, %mul3A_302 : i32
      %get3A = arith.constant 1 : i32
      %get3A_305 = arith.index_cast %get3A : i32 to index
      %get3A_306 = arith.index_cast %add3A_304 : i32 to index
      %get3A_307 = tpu.vector_load %arg5[%get3A_305, %get3A_306] {strides = array<i32>} : memref<3x512xi32, #tpu.memory_space<vmem>>, vector<1x16xi32>,
      %get3A_308 = vector.shape_cast %get3A_307 : vector<1x16xi32> to vector<16xi32>
      %ge3A = arith.constant 250000 : i32
      %ge3A_309 = vector.broadcast %ge3A : i32 to vector<16xi32>
      %ge3A_310 = arith.cmpi sge, %get3A_308, %ge3A_309 : vector<16xi32>
      %lt3A = arith.constant 500000 : i32
      %lt3A_311 = vector.broadcast %lt3A : i32 to vector<16xi32>
      %lt3A_312 = arith.cmpi slt, %get3A_308, %lt3A_311 : vector<16xi32>
      %and3A = arith.andi %ge3A_310, %lt3A_312 : vector<16xi1>
      %sub3A = arith.constant 250000 : i32
      %sub3A_313 = vector.broadcast %sub3A : i32 to vector<16xi32>
      %sub3A_314 = arith.subi %get3A_308, %sub3A_313 : vector<16xi32>
      %and3A_315 = arith.constant 8191 : i32
      %and3A_316 = vector.broadcast %and3A_315 : i32 to vector<16xi32>
      %and3A_317 = arith.andi %get3A_308, %and3A_316 : vector<16xi32>
      %add3A_318 = arith.constant 250000 : i32
      %add3A_319 = vector.broadcast %add3A_318 : i32 to vector<16xi32>
      %add3A_320 = arith.addi %add3A_319, %and3A_317 : vector<16xi32>
      %select_n3A = arith.select %and3A, %sub3A_314, %add3A_320 : vector<16xi1>, vector<16xi32>
      %mul3A_321 = arith.constant 16 : i32
      %mul3A_322 = arith.muli %scan3A_300, %mul3A_321 : i32
      %swap3A = arith.constant 1 : i32
      %swap3A_323 = arith.constant 3 : i32
      %swap3A_324 = arith.index_cast %swap3A : i32 to index
      %swap3A_325 = arith.index_cast %swap3A_323 : i32 to index
      %swap3A_326 = arith.index_cast %mul3A_322 : i32 to index
      %swap3A_327 = tpu.vector_load %arg6[%swap3A_324, %swap3A_325, %swap3A_326] {strides = array<i32>} : memref<3x4x128xi32, #tpu.memory_space<vmem>>, vector<1x1x16xi32>,
      %swap3A_328 = vector.shape_cast %swap3A_327 : vector<1x1x16xi32> to vector<16xi32>
      %swap3A_329 = vector.shape_cast %select_n3A : vector<16xi32> to vector<1x1x16xi32>
      tpu.vector_store %arg6[%swap3A_324, %swap3A_325, %swap3A_326], %swap3A_329 {strides = array<i32>} : memref<3x4x128xi32, #tpu.memory_space<vmem>>, vector<1x1x16xi32>,
    }
    %scan3A_229 = arith.constant 8 : i32
    %dma_start3A_230 = arith.constant 1 : i32
    %dma_start3A_231 = arith.constant 3 : i32
    %dma_start3A_232 = arith.constant 1 : i32
    %dma_start3A_233 = arith.constant 1 : i32
    %dma_start3A_234 = arith.constant 384 : i32
    %dma_start3A_235 = arith.constant 0 : i32
    %dma_start3A_236 = tpu.memref_slice %arg7[%dma_start3A_232, %dma_start3A_234, %dma_start3A_235] : memref<3x512x64xf32, #tpu.memory_space<vmem>> -> memref<1x128x64xf32, #tpu.memory_space<vmem>>
    %dma_start3A_237 = tpu.memref_squeeze %dma_start3A_236 : memref<1x128x64xf32, #tpu.memory_space<vmem>> -> memref<128x64xf32, #tpu.memory_space<vmem>>
    %dma_start3A_238 = arith.constant 0 : i32
    %dma_start3A_239 = tpu.memref_slice %arg6[%dma_start3A_230, %dma_start3A_231, %dma_start3A_238] : memref<3x4x128xi32, #tpu.memory_space<vmem>> -> memref<1x1x128xi32, #tpu.memory_space<vmem>>
    %dma_start3A_240 = tpu.memref_squeeze %dma_start3A_239 : memref<1x1x128xi32, #tpu.memory_space<vmem>> -> memref<128xi32, #tpu.memory_space<vmem>>
    %dma_start3A_241 = arith.constant 0 : i32
    %dma_start3A_242 = arith.constant 0 : i32
    %dma_start3A_243 = tpu.memref_slice %arg3[%dma_start3A_241, %dma_start3A_242] : memref<258192x64xf32, #tpu.memory_space<hbm>> -> memref<258192x64xf32, #tpu.memory_space<hbm>>
    %dma_start3A_244 = tpu.memref_slice %arg9[%dma_start3A_233] : memref<3x!tpu.dma_semaphore, #tpu.memory_space<semaphore_mem>> -> memref<1x!tpu.dma_semaphore, #tpu.memory_space<semaphore_mem>>
    %dma_start3A_245 = tpu.memref_squeeze %dma_start3A_244 : memref<1x!tpu.dma_semaphore, #tpu.memory_space<semaphore_mem>> -> memref<!tpu.dma_semaphore, #tpu.memory_space<semaphore_mem>>
    tpu.enqueue_indirect_dma source(%dma_start3A_243 : memref<258192x64xf32, #tpu.memory_space<hbm>>) target(%dma_start3A_237 : memref<128x64xf32, #tpu.memory_space<vmem>>) offsets(%dma_start3A_240 : memref<128xi32, #tpu.memory_space<vmem>>) semaphore(%dma_start3A_245 : memref<!tpu.dma_semaphore, #tpu.memory_space<semaphore_mem>>)
    %scan3A_246 = arith.constant 0 : i32
    %scan3A_247 = arith.constant 0 : i32
    %scan3A_248 = arith.constant 50 : i32
    %scan3A_249 = arith.addi %scan3A_247, %scan3A_248 : i32
    %scan3A_250 = arith.constant 1 : i32
    scf.for %scan3A_300 = %scan3A_247 to %scan3A_249 step %scan3A_250  : i32 {
      %jit3A = arith.constant 3 : i32
      %eq3A = arith.constant 0 : i32
      %eq3A_301 = arith.cmpi eq, %jit3A, %eq3A : i32
      %jit3A_302 = arith.constant 1 : i32
      %select_n3A = arith.select %eq3A_301, %jit3A_302, %jit3A : i32
      %rem3A = arith.remsi %scan3A_300, %select_n3A : i32
      %ne3A = arith.constant 0 : i32
      %ne3A_303 = arith.cmpi ne, %rem3A, %ne3A : i32
      %lt3A = arith.constant 0 : i32
      %lt3A_304 = arith.cmpi slt, %rem3A, %lt3A : i32
      %lt3A_305 = arith.constant 0 : i32
      %lt3A_306 = arith.cmpi slt, %select_n3A, %lt3A_305 : i32
      %ne3A_307 = arith.xori %lt3A_304, %lt3A_306 : i1
      %and3A = arith.andi %ne3A_307, %ne3A_303 : i1
      %add3A_308 = arith.addi %rem3A, %select_n3A : i32
      %select_n3A_309 = arith.select %and3A, %add3A_308, %rem3A : i32
      %dma_wait3A_310 = arith.constant 0 : i32
      %dma_wait3A_311 = arith.constant 0 : i32
      %dma_wait3A_312 = arith.constant 0 : i32
      %dma_wait3A_313 = tpu.memref_slice %arg7[%select_n3A_309, %dma_wait3A_311, %dma_wait3A_312] : memref<3x512x64xf32, #tpu.memory_space<vmem>> -> memref<1x128x64xf32, #tpu.memory_space<vmem>>
      %dma_wait3A_314 = tpu.memref_squeeze %dma_wait3A_313 : memref<1x128x64xf32, #tpu.memory_space<vmem>> -> memref<128x64xf32, #tpu.memory_space<vmem>>
      %dma_wait3A_315 = arith.constant 0 : i32
      %dma_wait3A_316 = tpu.memref_slice %arg6[%select_n3A_309, %dma_wait3A_310, %dma_wait3A_315] : memref<3x4x128xi32, #tpu.memory_space<vmem>> -> memref<1x1x128xi32, #tpu.memory_space<vmem>>
      %dma_wait3A_317 = tpu.memref_squeeze %dma_wait3A_316 : memref<1x1x128xi32, #tpu.memory_space<vmem>> -> memref<128xi32, #tpu.memory_space<vmem>>
      %dma_wait3A_318 = arith.constant 0 : i32
      %dma_wait3A_319 = arith.constant 0 : i32
      %dma_wait3A_320 = tpu.memref_slice %arg3[%dma_wait3A_318, %dma_wait3A_319] : memref<258192x64xf32, #tpu.memory_space<hbm>> -> memref<258192x64xf32, #tpu.memory_space<hbm>>
      %dma_wait3A_321 = tpu.memref_slice %arg9[%select_n3A_309] : memref<3x!tpu.dma_semaphore, #tpu.memory_space<semaphore_mem>> -> memref<1x!tpu.dma_semaphore, #tpu.memory_space<semaphore_mem>>
      %dma_wait3A_322 = tpu.memref_squeeze %dma_wait3A_321 : memref<1x!tpu.dma_semaphore, #tpu.memory_space<semaphore_mem>> -> memref<!tpu.dma_semaphore, #tpu.memory_space<semaphore_mem>>
      tpu.wait_indirect_dma semaphore(%dma_wait3A_322 : memref<!tpu.dma_semaphore, #tpu.memory_space<semaphore_mem>>) src(%dma_wait3A_320 : memref<258192x64xf32, #tpu.memory_space<hbm>>) dst(%dma_wait3A_314 : memref<128x64xf32, #tpu.memory_space<vmem>>)
      %dma_wait3A_323 = arith.constant 0 : i32
      %dma_wait3A_324 = arith.constant 0 : i32
      %dma_wait3A_325 = arith.constant 0 : i32
      %dma_wait3A_326 = tpu.memref_slice %arg7[%select_n3A_309, %dma_wait3A_324, %dma_wait3A_325] : memref<3x512x64xf32, #tpu.memory_space<vmem>> -> memref<1x128x64xf32, #tpu.memory_space<vmem>>
      %dma_wait3A_327 = tpu.memref_squeeze %dma_wait3A_326 : memref<1x128x64xf32, #tpu.memory_space<vmem>> -> memref<128x64xf32, #tpu.memory_space<vmem>>
      %dma_wait3A_328 = arith.constant 0 : i32
      %dma_wait3A_329 = tpu.memref_slice %arg6[%select_n3A_309, %dma_wait3A_323, %dma_wait3A_328] : memref<3x4x128xi32, #tpu.memory_space<vmem>> -> memref<1x1x128xi32, #tpu.memory_space<vmem>>
      %dma_wait3A_330 = tpu.memref_squeeze %dma_wait3A_329 : memref<1x1x128xi32, #tpu.memory_space<vmem>> -> memref<128xi32, #tpu.memory_space<vmem>>
      %dma_wait3A_331 = arith.constant 0 : i32
      %dma_wait3A_332 = arith.constant 0 : i32
      %dma_wait3A_333 = tpu.memref_slice %arg3[%dma_wait3A_331, %dma_wait3A_332] : memref<258192x64xf32, #tpu.memory_space<hbm>> -> memref<258192x64xf32, #tpu.memory_space<hbm>>
      %dma_wait3A_334 = tpu.memref_slice %arg9[%select_n3A_309] : memref<3x!tpu.dma_semaphore, #tpu.memory_space<semaphore_mem>> -> memref<1x!tpu.dma_semaphore, #tpu.memory_space<semaphore_mem>>
      %dma_wait3A_335 = tpu.memref_squeeze %dma_wait3A_334 : memref<1x!tpu.dma_semaphore, #tpu.memory_space<semaphore_mem>> -> memref<!tpu.dma_semaphore, #tpu.memory_space<semaphore_mem>>
      tpu.wait_indirect_dma semaphore(%dma_wait3A_335 : memref<!tpu.dma_semaphore, #tpu.memory_space<semaphore_mem>>) src(%dma_wait3A_333 : memref<258192x64xf32, #tpu.memory_space<hbm>>) dst(%dma_wait3A_327 : memref<128x64xf32, #tpu.memory_space<vmem>>)
      %dma_wait3A_336 = arith.constant 0 : i32
      %dma_wait3A_337 = arith.constant 0 : i32
      %dma_wait3A_338 = arith.constant 0 : i32
      %dma_wait3A_339 = tpu.memref_slice %arg7[%select_n3A_309, %dma_wait3A_337, %dma_wait3A_338] : memref<3x512x64xf32, #tpu.memory_space<vmem>> -> memref<1x128x64xf32, #tpu.memory_space<vmem>>
      %dma_wait3A_340 = tpu.memref_squeeze %dma_wait3A_339 : memref<1x128x64xf32, #tpu.memory_space<vmem>> -> memref<128x64xf32, #tpu.memory_space<vmem>>
      %dma_wait3A_341 = arith.constant 0 : i32
      %dma_wait3A_342 = tpu.memref_slice %arg6[%select_n3A_309, %dma_wait3A_336, %dma_wait3A_341] : memref<3x4x128xi32, #tpu.memory_space<vmem>> -> memref<1x1x128xi32, #tpu.memory_space<vmem>>
      %dma_wait3A_343 = tpu.memref_squeeze %dma_wait3A_342 : memref<1x1x128xi32, #tpu.memory_space<vmem>> -> memref<128xi32, #tpu.memory_space<vmem>>
      %dma_wait3A_344 = arith.constant 0 : i32
      %dma_wait3A_345 = arith.constant 0 : i32
      %dma_wait3A_346 = tpu.memref_slice %arg3[%dma_wait3A_344, %dma_wait3A_345] : memref<258192x64xf32, #tpu.memory_space<hbm>> -> memref<258192x64xf32, #tpu.memory_space<hbm>>
      %dma_wait3A_347 = tpu.memref_slice %arg9[%select_n3A_309] : memref<3x!tpu.dma_semaphore, #tpu.memory_space<semaphore_mem>> -> memref<1x!tpu.dma_semaphore, #tpu.memory_space<semaphore_mem>>
      %dma_wait3A_348 = tpu.memref_squeeze %dma_wait3A_347 : memref<1x!tpu.dma_semaphore, #tpu.memory_space<semaphore_mem>> -> memref<!tpu.dma_semaphore, #tpu.memory_space<semaphore_mem>>
      tpu.wait_indirect_dma semaphore(%dma_wait3A_348 : memref<!tpu.dma_semaphore, #tpu.memory_space<semaphore_mem>>) src(%dma_wait3A_346 : memref<258192x64xf32, #tpu.memory_space<hbm>>) dst(%dma_wait3A_340 : memref<128x64xf32, #tpu.memory_space<vmem>>)
      %dma_wait3A_349 = arith.constant 0 : i32
      %dma_wait3A_350 = arith.constant 0 : i32
      %dma_wait3A_351 = arith.constant 0 : i32
      %dma_wait3A_352 = tpu.memref_slice %arg7[%select_n3A_309, %dma_wait3A_350, %dma_wait3A_351] : memref<3x512x64xf32, #tpu.memory_space<vmem>> -> memref<1x128x64xf32, #tpu.memory_space<vmem>>
      %dma_wait3A_353 = tpu.memref_squeeze %dma_wait3A_352 : memref<1x128x64xf32, #tpu.memory_space<vmem>> -> memref<128x64xf32, #tpu.memory_space<vmem>>
      %dma_wait3A_354 = arith.constant 0 : i32
      %dma_wait3A_355 = tpu.memref_slice %arg6[%select_n3A_309, %dma_wait3A_349, %dma_wait3A_354] : memref<3x4x128xi32, #tpu.memory_space<vmem>> -> memref<1x1x128xi32, #tpu.memory_space<vmem>>
      %dma_wait3A_356 = tpu.memref_squeeze %dma_wait3A_355 : memref<1x1x128xi32, #tpu.memory_space<vmem>> -> memref<128xi32, #tpu.memory_space<vmem>>
      %dma_wait3A_357 = arith.constant 0 : i32
      %dma_wait3A_358 = arith.constant 0 : i32
      %dma_wait3A_359 = tpu.memref_slice %arg3[%dma_wait3A_357, %dma_wait3A_358] : memref<258192x64xf32, #tpu.memory_space<hbm>> -> memref<258192x64xf32, #tpu.memory_space<hbm>>
      %dma_wait3A_360 = tpu.memref_slice %arg9[%select_n3A_309] : memref<3x!tpu.dma_semaphore, #tpu.memory_space<semaphore_mem>> -> memref<1x!tpu.dma_semaphore, #tpu.memory_space<semaphore_mem>>
      %dma_wait3A_361 = tpu.memref_squeeze %dma_wait3A_360 : memref<1x!tpu.dma_semaphore, #tpu.memory_space<semaphore_mem>> -> memref<!tpu.dma_semaphore, #tpu.memory_space<semaphore_mem>>
      tpu.wait_indirect_dma semaphore(%dma_wait3A_361 : memref<!tpu.dma_semaphore, #tpu.memory_space<semaphore_mem>>) src(%dma_wait3A_359 : memref<258192x64xf32, #tpu.memory_space<hbm>>) dst(%dma_wait3A_353 : memref<128x64xf32, #tpu.memory_space<vmem>>)
      %mul3A_362 = arith.constant 512 : i32
      %mul3A_363 = arith.muli %scan3A_300, %mul3A_362 : i32
      %add3A_364 = arith.addi %mul3A_2, %mul3A_363 : i32
      %dma_start3A_365 = arith.constant 0 : i32
      %dma_start3A_366 = arith.constant 0 : i32
      %dma_start3A_367 = tpu.memref_slice %arg7[%select_n3A_309, %dma_start3A_365, %dma_start3A_366] : memref<3x512x64xf32, #tpu.memory_space<vmem>> -> memref<1x512x64xf32, #tpu.memory_space<vmem>>
      %dma_start3A_368 = tpu.memref_squeeze %dma_start3A_367 : memref<1x512x64xf32, #tpu.memory_space<vmem>> -> memref<512x64xf32, #tpu.memory_space<vmem>>
      %dma_start3A_369 = arith.constant 0 : i32
      %dma_start3A_370 = tpu.memref_slice %arg4[%add3A_364, %dma_start3A_369] : memref<819200x64xf32, #tpu.memory_space<hbm>> -> memref<512x64xf32, #tpu.memory_space<hbm>>
      %dma_start3A_371 = tpu.memref_slice %arg10[%select_n3A_309] : memref<3x!tpu.dma_semaphore, #tpu.memory_space<semaphore_mem>> -> memref<1x!tpu.dma_semaphore, #tpu.memory_space<semaphore_mem>>
      %dma_start3A_372 = tpu.memref_squeeze %dma_start3A_371 : memref<1x!tpu.dma_semaphore, #tpu.memory_space<semaphore_mem>> -> memref<!tpu.dma_semaphore, #tpu.memory_space<semaphore_mem>>
      %dma_start3A_373 = arith.constant 0 : i32
      %dma_start3A_374 = tpu.memref_slice %arg4[%add3A_364, %dma_start3A_373] : memref<819200x64xf32, #tpu.memory_space<hbm>> -> memref<512x64xf32, #tpu.memory_space<hbm>>
      %dma_start3A_375 = arith.constant 0 : i32
      %dma_start3A_376 = arith.constant 0 : i32
      %dma_start3A_377 = tpu.memref_slice %arg7[%select_n3A_309, %dma_start3A_375, %dma_start3A_376] : memref<3x512x64xf32, #tpu.memory_space<vmem>> -> memref<1x512x64xf32, #tpu.memory_space<vmem>>
      %dma_start3A_378 = tpu.memref_squeeze %dma_start3A_377 : memref<1x512x64xf32, #tpu.memory_space<vmem>> -> memref<512x64xf32, #tpu.memory_space<vmem>>
      tpu.enqueue_dma source(%dma_start3A_378 : memref<512x64xf32, #tpu.memory_space<vmem>>) target(%dma_start3A_374 : memref<512x64xf32, #tpu.memory_space<hbm>>) target_semaphore(%dma_start3A_372 : memref<!tpu.dma_semaphore, #tpu.memory_space<semaphore_mem>>)
      %add3A_379 = arith.constant 2 : i32
      %add3A_380 = arith.addi %scan3A_300, %add3A_379 : i32
      %jit3A_381 = arith.constant 3 : i32
      %eq3A_382 = arith.constant 0 : i32
      %eq3A_383 = arith.cmpi eq, %jit3A_381, %eq3A_382 : i32
      %jit3A_384 = arith.constant 1 : i32
      %select_n3A_385 = arith.select %eq3A_383, %jit3A_384, %jit3A_381 : i32
      %rem3A_386 = arith.remsi %add3A_380, %select_n3A_385 : i32
      %ne3A_387 = arith.constant 0 : i32
      %ne3A_388 = arith.cmpi ne, %rem3A_386, %ne3A_387 : i32
      %lt3A_389 = arith.constant 0 : i32
      %lt3A_390 = arith.cmpi slt, %rem3A_386, %lt3A_389 : i32
      %lt3A_391 = arith.constant 0 : i32
      %lt3A_392 = arith.cmpi slt, %select_n3A_385, %lt3A_391 : i32
      %ne3A_393 = arith.xori %lt3A_390, %lt3A_392 : i1
      %and3A_394 = arith.andi %ne3A_393, %ne3A_388 : i1
      %add3A_395 = arith.addi %rem3A_386, %select_n3A_385 : i32
      %select_n3A_396 = arith.select %and3A_394, %add3A_395, %rem3A_386 : i32
      %add3A_397 = arith.constant 2 : i32
      %add3A_398 = arith.addi %scan3A_300, %add3A_397 : i32
      %lt3A_399 = arith.constant 50 : i32
      %lt3A_400 = arith.cmpi slt, %add3A_398, %lt3A_399 : i32
      %convert_element_type3A = arith.extui %lt3A_400 : i1 to i32
      %cond3A = arith.constant 0 : i32
      %cond3A_401 = arith.cmpi ne, %convert_element_type3A, %cond3A : i32
      scf.if %cond3A_401 {
        %gt3A = arith.constant 0 : i32
        %gt3A_409 = arith.cmpi sgt, %scan3A_300, %gt3A : i32
        %convert_element_type3A_410 = arith.extui %gt3A_409 : i1 to i32
        %cond3A_411 = arith.constant 0 : i32
        %cond3A_412 = arith.cmpi ne, %convert_element_type3A_410, %cond3A_411 : i32
        scf.if %cond3A_412 {
          %dma_wait3A_504 = arith.constant 0 : i32
          %dma_wait3A_505 = arith.constant 0 : i32
          %dma_wait3A_506 = tpu.memref_slice %arg7[%select_n3A_396, %dma_wait3A_504, %dma_wait3A_505] : memref<3x512x64xf32, #tpu.memory_space<vmem>> -> memref<1x512x64xf32, #tpu.memory_space<vmem>>
          %dma_wait3A_507 = tpu.memref_squeeze %dma_wait3A_506 : memref<1x512x64xf32, #tpu.memory_space<vmem>> -> memref<512x64xf32, #tpu.memory_space<vmem>>
          %dma_wait3A_508 = arith.constant 0 : i32
          %dma_wait3A_509 = tpu.memref_slice %arg4[%mul3A_2, %dma_wait3A_508] : memref<819200x64xf32, #tpu.memory_space<hbm>> -> memref<512x64xf32, #tpu.memory_space<hbm>>
          %dma_wait3A_510 = tpu.memref_slice %arg10[%select_n3A_396] : memref<3x!tpu.dma_semaphore, #tpu.memory_space<semaphore_mem>> -> memref<1x!tpu.dma_semaphore, #tpu.memory_space<semaphore_mem>>
          %dma_wait3A_511 = tpu.memref_squeeze %dma_wait3A_510 : memref<1x!tpu.dma_semaphore, #tpu.memory_space<semaphore_mem>> -> memref<!tpu.dma_semaphore, #tpu.memory_space<semaphore_mem>>
          %dma_wait3A_512 = arith.constant 0 : i32
          %dma_wait3A_513 = tpu.memref_slice %arg4[%mul3A_2, %dma_wait3A_512] : memref<819200x64xf32, #tpu.memory_space<hbm>> -> memref<512x64xf32, #tpu.memory_space<hbm>>
          %dma_wait3A_514 = arith.constant 0 : i32
          %dma_wait3A_515 = arith.constant 0 : i32
          %dma_wait3A_516 = tpu.memref_slice %arg7[%select_n3A_396, %dma_wait3A_514, %dma_wait3A_515] : memref<3x512x64xf32, #tpu.memory_space<vmem>> -> memref<1x512x64xf32, #tpu.memory_space<vmem>>
          %dma_wait3A_517 = tpu.memref_squeeze %dma_wait3A_516 : memref<1x512x64xf32, #tpu.memory_space<vmem>> -> memref<512x64xf32, #tpu.memory_space<vmem>>
          tpu.wait_dma2 semaphore(%dma_wait3A_511 : memref<!tpu.dma_semaphore, #tpu.memory_space<semaphore_mem>>) src(%dma_wait3A_517 : memref<512x64xf32, #tpu.memory_space<vmem>>) dst(%dma_wait3A_513 : memref<512x64xf32, #tpu.memory_space<hbm>>)
        } else {
        }
        %add3A_413 = arith.constant 2 : i32
        %add3A_414 = arith.addi %scan3A_300, %add3A_413 : i32
        %mul3A_415 = arith.constant 512 : i32
        %mul3A_416 = arith.muli %add3A_414, %mul3A_415 : i32
        %add3A_417 = arith.addi %mul3A_2, %mul3A_416 : i32
        %dma_wait3A_418 = arith.constant 0 : i32
        %dma_wait3A_419 = tpu.memref_slice %arg5[%select_n3A_396, %dma_wait3A_418] : memref<3x512xi32, #tpu.memory_space<vmem>> -> memref<1x512xi32, #tpu.memory_space<vmem>>
        %dma_wait3A_420 = tpu.memref_squeeze %dma_wait3A_419 : memref<1x512xi32, #tpu.memory_space<vmem>> -> memref<512xi32, #tpu.memory_space<vmem>>
        %dma_wait3A_421 = tpu.memref_slice %arg2[%add3A_417] : memref<819200xi32, #tpu.memory_space<hbm>> -> memref<512xi32, #tpu.memory_space<hbm>>
        %dma_wait3A_422 = tpu.memref_slice %arg8[%select_n3A_396] : memref<3x!tpu.dma_semaphore, #tpu.memory_space<semaphore_mem>> -> memref<1x!tpu.dma_semaphore, #tpu.memory_space<semaphore_mem>>
        %dma_wait3A_423 = tpu.memref_squeeze %dma_wait3A_422 : memref<1x!tpu.dma_semaphore, #tpu.memory_space<semaphore_mem>> -> memref<!tpu.dma_semaphore, #tpu.memory_space<semaphore_mem>>
        %dma_wait3A_424 = arith.constant 0 : i32
        %dma_wait3A_425 = tpu.memref_slice %arg5[%select_n3A_396, %dma_wait3A_424] : memref<3x512xi32, #tpu.memory_space<vmem>> -> memref<1x512xi32, #tpu.memory_space<vmem>>
        %dma_wait3A_426 = tpu.memref_squeeze %dma_wait3A_425 : memref<1x512xi32, #tpu.memory_space<vmem>> -> memref<512xi32, #tpu.memory_space<vmem>>
        %dma_wait3A_427 = tpu.memref_slice %arg2[%add3A_417] : memref<819200xi32, #tpu.memory_space<hbm>> -> memref<512xi32, #tpu.memory_space<hbm>>
        tpu.wait_dma2 semaphore(%dma_wait3A_423 : memref<!tpu.dma_semaphore, #tpu.memory_space<semaphore_mem>>) src(%dma_wait3A_427 : memref<512xi32, #tpu.memory_space<hbm>>) dst(%dma_wait3A_426 : memref<512xi32, #tpu.memory_space<vmem>>)
        %scan3A_428 = arith.constant 0 : i32
        %scan3A_429 = arith.constant 0 : i32
        %scan3A_430 = arith.constant 8 : i32
        %scan3A_431 = arith.addi %scan3A_429, %scan3A_430 : i32
        %scan3A_432 = arith.constant 1 : i32
        scf.for %scan3A_504 = %scan3A_429 to %scan3A_431 step %scan3A_432  : i32 {
          %mul3A_505 = arith.constant 16 : i32
          %mul3A_506 = arith.muli %scan3A_504, %mul3A_505 : i32
          %add3A_507 = arith.constant 0 : i32
          %add3A_508 = arith.addi %add3A_507, %mul3A_506 : i32
          %get3A = arith.index_cast %select_n3A_396 : i32 to index
          %get3A_509 = arith.index_cast %add3A_508 : i32 to index
          %get3A_510 = tpu.vector_load %arg5[%get3A, %get3A_509] {strides = array<i32>} : memref<3x512xi32, #tpu.memory_space<vmem>>, vector<1x16xi32>,
          %get3A_511 = vector.shape_cast %get3A_510 : vector<1x16xi32> to vector<16xi32>
          %ge3A = arith.constant 250000 : i32
          %ge3A_512 = vector.broadcast %ge3A : i32 to vector<16xi32>
          %ge3A_513 = arith.cmpi sge, %get3A_511, %ge3A_512 : vector<16xi32>
          %lt3A_514 = arith.constant 500000 : i32
          %lt3A_515 = vector.broadcast %lt3A_514 : i32 to vector<16xi32>
          %lt3A_516 = arith.cmpi slt, %get3A_511, %lt3A_515 : vector<16xi32>
          %and3A_517 = arith.andi %ge3A_513, %lt3A_516 : vector<16xi1>
          %sub3A = arith.constant 250000 : i32
          %sub3A_518 = vector.broadcast %sub3A : i32 to vector<16xi32>
          %sub3A_519 = arith.subi %get3A_511, %sub3A_518 : vector<16xi32>
          %and3A_520 = arith.constant 8191 : i32
          %and3A_521 = vector.broadcast %and3A_520 : i32 to vector<16xi32>
          %and3A_522 = arith.andi %get3A_511, %and3A_521 : vector<16xi32>
          %add3A_523 = arith.constant 250000 : i32
          %add3A_524 = vector.broadcast %add3A_523 : i32 to vector<16xi32>
          %add3A_525 = arith.addi %add3A_524, %and3A_522 : vector<16xi32>
          %select_n3A_526 = arith.select %and3A_517, %sub3A_519, %add3A_525 : vector<16xi1>, vector<16xi32>
          %mul3A_527 = arith.constant 16 : i32
          %mul3A_528 = arith.muli %scan3A_504, %mul3A_527 : i32
          %swap3A = arith.constant 0 : i32
          %swap3A_529 = arith.index_cast %select_n3A_396 : i32 to index
          %swap3A_530 = arith.index_cast %swap3A : i32 to index
          %swap3A_531 = arith.index_cast %mul3A_528 : i32 to index
          %swap3A_532 = tpu.vector_load %arg6[%swap3A_529, %swap3A_530, %swap3A_531] {strides = array<i32>} : memref<3x4x128xi32, #tpu.memory_space<vmem>>, vector<1x1x16xi32>,
          %swap3A_533 = vector.shape_cast %swap3A_532 : vector<1x1x16xi32> to vector<16xi32>
          %swap3A_534 = vector.shape_cast %select_n3A_526 : vector<16xi32> to vector<1x1x16xi32>
          tpu.vector_store %arg6[%swap3A_529, %swap3A_530, %swap3A_531], %swap3A_534 {strides = array<i32>} : memref<3x4x128xi32, #tpu.memory_space<vmem>>, vector<1x1x16xi32>,
        }
        %scan3A_433 = arith.constant 8 : i32
        %dma_start3A_434 = arith.constant 0 : i32
        %dma_start3A_435 = arith.constant 0 : i32
        %dma_start3A_436 = arith.constant 0 : i32
        %dma_start3A_437 = tpu.memref_slice %arg7[%select_n3A_396, %dma_start3A_435, %dma_start3A_436] : memref<3x512x64xf32, #tpu.memory_space<vmem>> -> memref<1x128x64xf32, #tpu.memory_space<vmem>>
        %dma_start3A_438 = tpu.memref_squeeze %dma_start3A_437 : memref<1x128x64xf32, #tpu.memory_space<vmem>> -> memref<128x64xf32, #tpu.memory_space<vmem>>
        %dma_start3A_439 = arith.constant 0 : i32
        %dma_start3A_440 = tpu.memref_slice %arg6[%select_n3A_396, %dma_start3A_434, %dma_start3A_439] : memref<3x4x128xi32, #tpu.memory_space<vmem>> -> memref<1x1x128xi32, #tpu.memory_space<vmem>>
        %dma_start3A_441 = tpu.memref_squeeze %dma_start3A_440 : memref<1x1x128xi32, #tpu.memory_space<vmem>> -> memref<128xi32, #tpu.memory_space<vmem>>
        %dma_start3A_442 = arith.constant 0 : i32
        %dma_start3A_443 = arith.constant 0 : i32
        %dma_start3A_444 = tpu.memref_slice %arg3[%dma_start3A_442, %dma_start3A_443] : memref<258192x64xf32, #tpu.memory_space<hbm>> -> memref<258192x64xf32, #tpu.memory_space<hbm>>
        %dma_start3A_445 = tpu.memref_slice %arg9[%select_n3A_396] : memref<3x!tpu.dma_semaphore, #tpu.memory_space<semaphore_mem>> -> memref<1x!tpu.dma_semaphore, #tpu.memory_space<semaphore_mem>>
        %dma_start3A_446 = tpu.memref_squeeze %dma_start3A_445 : memref<1x!tpu.dma_semaphore, #tpu.memory_space<semaphore_mem>> -> memref<!tpu.dma_semaphore, #tpu.memory_space<semaphore_mem>>
        tpu.enqueue_indirect_dma source(%dma_start3A_444 : memref<258192x64xf32, #tpu.memory_space<hbm>>) target(%dma_start3A_438 : memref<128x64xf32, #tpu.memory_space<vmem>>) offsets(%dma_start3A_441 : memref<128xi32, #tpu.memory_space<vmem>>) semaphore(%dma_start3A_446 : memref<!tpu.dma_semaphore, #tpu.memory_space<semaphore_mem>>)
        %scan3A_447 = arith.constant 0 : i32
        %scan3A_448 = arith.constant 0 : i32
        %scan3A_449 = arith.constant 8 : i32
        %scan3A_450 = arith.addi %scan3A_448, %scan3A_449 : i32
        %scan3A_451 = arith.constant 1 : i32
        scf.for %scan3A_504 = %scan3A_448 to %scan3A_450 step %scan3A_451  : i32 {
          %mul3A_505 = arith.constant 16 : i32
          %mul3A_506 = arith.muli %scan3A_504, %mul3A_505 : i32
          %add3A_507 = arith.constant 128 : i32
          %add3A_508 = arith.addi %add3A_507, %mul3A_506 : i32
          %get3A = arith.index_cast %select_n3A_396 : i32 to index
          %get3A_509 = arith.index_cast %add3A_508 : i32 to index
          %get3A_510 = tpu.vector_load %arg5[%get3A, %get3A_509] {strides = array<i32>} : memref<3x512xi32, #tpu.memory_space<vmem>>, vector<1x16xi32>,
          %get3A_511 = vector.shape_cast %get3A_510 : vector<1x16xi32> to vector<16xi32>
          %ge3A = arith.constant 250000 : i32
          %ge3A_512 = vector.broadcast %ge3A : i32 to vector<16xi32>
          %ge3A_513 = arith.cmpi sge, %get3A_511, %ge3A_512 : vector<16xi32>
          %lt3A_514 = arith.constant 500000 : i32
          %lt3A_515 = vector.broadcast %lt3A_514 : i32 to vector<16xi32>
          %lt3A_516 = arith.cmpi slt, %get3A_511, %lt3A_515 : vector<16xi32>
          %and3A_517 = arith.andi %ge3A_513, %lt3A_516 : vector<16xi1>
          %sub3A = arith.constant 250000 : i32
          %sub3A_518 = vector.broadcast %sub3A : i32 to vector<16xi32>
          %sub3A_519 = arith.subi %get3A_511, %sub3A_518 : vector<16xi32>
          %and3A_520 = arith.constant 8191 : i32
          %and3A_521 = vector.broadcast %and3A_520 : i32 to vector<16xi32>
          %and3A_522 = arith.andi %get3A_511, %and3A_521 : vector<16xi32>
          %add3A_523 = arith.constant 250000 : i32
          %add3A_524 = vector.broadcast %add3A_523 : i32 to vector<16xi32>
          %add3A_525 = arith.addi %add3A_524, %and3A_522 : vector<16xi32>
          %select_n3A_526 = arith.select %and3A_517, %sub3A_519, %add3A_525 : vector<16xi1>, vector<16xi32>
          %mul3A_527 = arith.constant 16 : i32
          %mul3A_528 = arith.muli %scan3A_504, %mul3A_527 : i32
          %swap3A = arith.constant 1 : i32
          %swap3A_529 = arith.index_cast %select_n3A_396 : i32 to index
          %swap3A_530 = arith.index_cast %swap3A : i32 to index
          %swap3A_531 = arith.index_cast %mul3A_528 : i32 to index
          %swap3A_532 = tpu.vector_load %arg6[%swap3A_529, %swap3A_530, %swap3A_531] {strides = array<i32>} : memref<3x4x128xi32, #tpu.memory_space<vmem>>, vector<1x1x16xi32>,
          %swap3A_533 = vector.shape_cast %swap3A_532 : vector<1x1x16xi32> to vector<16xi32>
          %swap3A_534 = vector.shape_cast %select_n3A_526 : vector<16xi32> to vector<1x1x16xi32>
          tpu.vector_store %arg6[%swap3A_529, %swap3A_530, %swap3A_531], %swap3A_534 {strides = array<i32>} : memref<3x4x128xi32, #tpu.memory_space<vmem>>, vector<1x1x16xi32>,
        }
        %scan3A_452 = arith.constant 8 : i32
        %dma_start3A_453 = arith.constant 1 : i32
        %dma_start3A_454 = arith.constant 128 : i32
        %dma_start3A_455 = arith.constant 0 : i32
        %dma_start3A_456 = tpu.memref_slice %arg7[%select_n3A_396, %dma_start3A_454, %dma_start3A_455] : memref<3x512x64xf32, #tpu.memory_space<vmem>> -> memref<1x128x64xf32, #tpu.memory_space<vmem>>
        %dma_start3A_457 = tpu.memref_squeeze %dma_start3A_456 : memref<1x128x64xf32, #tpu.memory_space<vmem>> -> memref<128x64xf32, #tpu.memory_space<vmem>>
        %dma_start3A_458 = arith.constant 0 : i32
        %dma_start3A_459 = tpu.memref_slice %arg6[%select_n3A_396, %dma_start3A_453, %dma_start3A_458] : memref<3x4x128xi32, #tpu.memory_space<vmem>> -> memref<1x1x128xi32, #tpu.memory_space<vmem>>
        %dma_start3A_460 = tpu.memref_squeeze %dma_start3A_459 : memref<1x1x128xi32, #tpu.memory_space<vmem>> -> memref<128xi32, #tpu.memory_space<vmem>>
        %dma_start3A_461 = arith.constant 0 : i32
        %dma_start3A_462 = arith.constant 0 : i32
        %dma_start3A_463 = tpu.memref_slice %arg3[%dma_start3A_461, %dma_start3A_462] : memref<258192x64xf32, #tpu.memory_space<hbm>> -> memref<258192x64xf32, #tpu.memory_space<hbm>>
        %dma_start3A_464 = tpu.memref_slice %arg9[%select_n3A_396] : memref<3x!tpu.dma_semaphore, #tpu.memory_space<semaphore_mem>> -> memref<1x!tpu.dma_semaphore, #tpu.memory_space<semaphore_mem>>
        %dma_start3A_465 = tpu.memref_squeeze %dma_start3A_464 : memref<1x!tpu.dma_semaphore, #tpu.memory_space<semaphore_mem>> -> memref<!tpu.dma_semaphore, #tpu.memory_space<semaphore_mem>>
        tpu.enqueue_indirect_dma source(%dma_start3A_463 : memref<258192x64xf32, #tpu.memory_space<hbm>>) target(%dma_start3A_457 : memref<128x64xf32, #tpu.memory_space<vmem>>) offsets(%dma_start3A_460 : memref<128xi32, #tpu.memory_space<vmem>>) semaphore(%dma_start3A_465 : memref<!tpu.dma_semaphore, #tpu.memory_space<semaphore_mem>>)
        %scan3A_466 = arith.constant 0 : i32
        %scan3A_467 = arith.constant 0 : i32
        %scan3A_468 = arith.constant 8 : i32
        %scan3A_469 = arith.addi %scan3A_467, %scan3A_468 : i32
        %scan3A_470 = arith.constant 1 : i32
        scf.for %scan3A_504 = %scan3A_467 to %scan3A_469 step %scan3A_470  : i32 {
          %mul3A_505 = arith.constant 16 : i32
          %mul3A_506 = arith.muli %scan3A_504, %mul3A_505 : i32
          %add3A_507 = arith.constant 256 : i32
          %add3A_508 = arith.addi %add3A_507, %mul3A_506 : i32
          %get3A = arith.index_cast %select_n3A_396 : i32 to index
          %get3A_509 = arith.index_cast %add3A_508 : i32 to index
          %get3A_510 = tpu.vector_load %arg5[%get3A, %get3A_509] {strides = array<i32>} : memref<3x512xi32, #tpu.memory_space<vmem>>, vector<1x16xi32>,
          %get3A_511 = vector.shape_cast %get3A_510 : vector<1x16xi32> to vector<16xi32>
          %ge3A = arith.constant 250000 : i32
          %ge3A_512 = vector.broadcast %ge3A : i32 to vector<16xi32>
          %ge3A_513 = arith.cmpi sge, %get3A_511, %ge3A_512 : vector<16xi32>
          %lt3A_514 = arith.constant 500000 : i32
          %lt3A_515 = vector.broadcast %lt3A_514 : i32 to vector<16xi32>
          %lt3A_516 = arith.cmpi slt, %get3A_511, %lt3A_515 : vector<16xi32>
          %and3A_517 = arith.andi %ge3A_513, %lt3A_516 : vector<16xi1>
          %sub3A = arith.constant 250000 : i32
          %sub3A_518 = vector.broadcast %sub3A : i32 to vector<16xi32>
          %sub3A_519 = arith.subi %get3A_511, %sub3A_518 : vector<16xi32>
          %and3A_520 = arith.constant 8191 : i32
          %and3A_521 = vector.broadcast %and3A_520 : i32 to vector<16xi32>
          %and3A_522 = arith.andi %get3A_511, %and3A_521 : vector<16xi32>
          %add3A_523 = arith.constant 250000 : i32
          %add3A_524 = vector.broadcast %add3A_523 : i32 to vector<16xi32>
          %add3A_525 = arith.addi %add3A_524, %and3A_522 : vector<16xi32>
          %select_n3A_526 = arith.select %and3A_517, %sub3A_519, %add3A_525 : vector<16xi1>, vector<16xi32>
          %mul3A_527 = arith.constant 16 : i32
          %mul3A_528 = arith.muli %scan3A_504, %mul3A_527 : i32
          %swap3A = arith.constant 2 : i32
          %swap3A_529 = arith.index_cast %select_n3A_396 : i32 to index
          %swap3A_530 = arith.index_cast %swap3A : i32 to index
          %swap3A_531 = arith.index_cast %mul3A_528 : i32 to index
          %swap3A_532 = tpu.vector_load %arg6[%swap3A_529, %swap3A_530, %swap3A_531] {strides = array<i32>} : memref<3x4x128xi32, #tpu.memory_space<vmem>>, vector<1x1x16xi32>,
          %swap3A_533 = vector.shape_cast %swap3A_532 : vector<1x1x16xi32> to vector<16xi32>
          %swap3A_534 = vector.shape_cast %select_n3A_526 : vector<16xi32> to vector<1x1x16xi32>
          tpu.vector_store %arg6[%swap3A_529, %swap3A_530, %swap3A_531], %swap3A_534 {strides = array<i32>} : memref<3x4x128xi32, #tpu.memory_space<vmem>>, vector<1x1x16xi32>,
        }
        %scan3A_471 = arith.constant 8 : i32
        %dma_start3A_472 = arith.constant 2 : i32
        %dma_start3A_473 = arith.constant 256 : i32
        %dma_start3A_474 = arith.constant 0 : i32
        %dma_start3A_475 = tpu.memref_slice %arg7[%select_n3A_396, %dma_start3A_473, %dma_start3A_474] : memref<3x512x64xf32, #tpu.memory_space<vmem>> -> memref<1x128x64xf32, #tpu.memory_space<vmem>>
        %dma_start3A_476 = tpu.memref_squeeze %dma_start3A_475 : memref<1x128x64xf32, #tpu.memory_space<vmem>> -> memref<128x64xf32, #tpu.memory_space<vmem>>
        %dma_start3A_477 = arith.constant 0 : i32
        %dma_start3A_478 = tpu.memref_slice %arg6[%select_n3A_396, %dma_start3A_472, %dma_start3A_477] : memref<3x4x128xi32, #tpu.memory_space<vmem>> -> memref<1x1x128xi32, #tpu.memory_space<vmem>>
        %dma_start3A_479 = tpu.memref_squeeze %dma_start3A_478 : memref<1x1x128xi32, #tpu.memory_space<vmem>> -> memref<128xi32, #tpu.memory_space<vmem>>
        %dma_start3A_480 = arith.constant 0 : i32
        %dma_start3A_481 = arith.constant 0 : i32
        %dma_start3A_482 = tpu.memref_slice %arg3[%dma_start3A_480, %dma_start3A_481] : memref<258192x64xf32, #tpu.memory_space<hbm>> -> memref<258192x64xf32, #tpu.memory_space<hbm>>
        %dma_start3A_483 = tpu.memref_slice %arg9[%select_n3A_396] : memref<3x!tpu.dma_semaphore, #tpu.memory_space<semaphore_mem>> -> memref<1x!tpu.dma_semaphore, #tpu.memory_space<semaphore_mem>>
        %dma_start3A_484 = tpu.memref_squeeze %dma_start3A_483 : memref<1x!tpu.dma_semaphore, #tpu.memory_space<semaphore_mem>> -> memref<!tpu.dma_semaphore, #tpu.memory_space<semaphore_mem>>
        tpu.enqueue_indirect_dma source(%dma_start3A_482 : memref<258192x64xf32, #tpu.memory_space<hbm>>) target(%dma_start3A_476 : memref<128x64xf32, #tpu.memory_space<vmem>>) offsets(%dma_start3A_479 : memref<128xi32, #tpu.memory_space<vmem>>) semaphore(%dma_start3A_484 : memref<!tpu.dma_semaphore, #tpu.memory_space<semaphore_mem>>)
        %scan3A_485 = arith.constant 0 : i32
        %scan3A_486 = arith.constant 0 : i32
        %scan3A_487 = arith.constant 8 : i32
        %scan3A_488 = arith.addi %scan3A_486, %scan3A_487 : i32
        %scan3A_489 = arith.constant 1 : i32
        scf.for %scan3A_504 = %scan3A_486 to %scan3A_488 step %scan3A_489  : i32 {
          %mul3A_505 = arith.constant 16 : i32
          %mul3A_506 = arith.muli %scan3A_504, %mul3A_505 : i32
          %add3A_507 = arith.constant 384 : i32
          %add3A_508 = arith.addi %add3A_507, %mul3A_506 : i32
          %get3A = arith.index_cast %select_n3A_396 : i32 to index
          %get3A_509 = arith.index_cast %add3A_508 : i32 to index
          %get3A_510 = tpu.vector_load %arg5[%get3A, %get3A_509] {strides = array<i32>} : memref<3x512xi32, #tpu.memory_space<vmem>>, vector<1x16xi32>,
          %get3A_511 = vector.shape_cast %get3A_510 : vector<1x16xi32> to vector<16xi32>
          %ge3A = arith.constant 250000 : i32
          %ge3A_512 = vector.broadcast %ge3A : i32 to vector<16xi32>
          %ge3A_513 = arith.cmpi sge, %get3A_511, %ge3A_512 : vector<16xi32>
          %lt3A_514 = arith.constant 500000 : i32
          %lt3A_515 = vector.broadcast %lt3A_514 : i32 to vector<16xi32>
          %lt3A_516 = arith.cmpi slt, %get3A_511, %lt3A_515 : vector<16xi32>
          %and3A_517 = arith.andi %ge3A_513, %lt3A_516 : vector<16xi1>
          %sub3A = arith.constant 250000 : i32
          %sub3A_518 = vector.broadcast %sub3A : i32 to vector<16xi32>
          %sub3A_519 = arith.subi %get3A_511, %sub3A_518 : vector<16xi32>
          %and3A_520 = arith.constant 8191 : i32
          %and3A_521 = vector.broadcast %and3A_520 : i32 to vector<16xi32>
          %and3A_522 = arith.andi %get3A_511, %and3A_521 : vector<16xi32>
          %add3A_523 = arith.constant 250000 : i32
          %add3A_524 = vector.broadcast %add3A_523 : i32 to vector<16xi32>
          %add3A_525 = arith.addi %add3A_524, %and3A_522 : vector<16xi32>
          %select_n3A_526 = arith.select %and3A_517, %sub3A_519, %add3A_525 : vector<16xi1>, vector<16xi32>
          %mul3A_527 = arith.constant 16 : i32
          %mul3A_528 = arith.muli %scan3A_504, %mul3A_527 : i32
          %swap3A = arith.constant 3 : i32
          %swap3A_529 = arith.index_cast %select_n3A_396 : i32 to index
          %swap3A_530 = arith.index_cast %swap3A : i32 to index
          %swap3A_531 = arith.index_cast %mul3A_528 : i32 to index
          %swap3A_532 = tpu.vector_load %arg6[%swap3A_529, %swap3A_530, %swap3A_531] {strides = array<i32>} : memref<3x4x128xi32, #tpu.memory_space<vmem>>, vector<1x1x16xi32>,
          %swap3A_533 = vector.shape_cast %swap3A_532 : vector<1x1x16xi32> to vector<16xi32>
          %swap3A_534 = vector.shape_cast %select_n3A_526 : vector<16xi32> to vector<1x1x16xi32>
          tpu.vector_store %arg6[%swap3A_529, %swap3A_530, %swap3A_531], %swap3A_534 {strides = array<i32>} : memref<3x4x128xi32, #tpu.memory_space<vmem>>, vector<1x1x16xi32>,
        }
        %scan3A_490 = arith.constant 8 : i32
        %dma_start3A_491 = arith.constant 3 : i32
        %dma_start3A_492 = arith.constant 384 : i32
        %dma_start3A_493 = arith.constant 0 : i32
        %dma_start3A_494 = tpu.memref_slice %arg7[%select_n3A_396, %dma_start3A_492, %dma_start3A_493] : memref<3x512x64xf32, #tpu.memory_space<vmem>> -> memref<1x128x64xf32, #tpu.memory_space<vmem>>
        %dma_start3A_495 = tpu.memref_squeeze %dma_start3A_494 : memref<1x128x64xf32, #tpu.memory_space<vmem>> -> memref<128x64xf32, #tpu.memory_space<vmem>>
        %dma_start3A_496 = arith.constant 0 : i32
        %dma_start3A_497 = tpu.memref_slice %arg6[%select_n3A_396, %dma_start3A_491, %dma_start3A_496] : memref<3x4x128xi32, #tpu.memory_space<vmem>> -> memref<1x1x128xi32, #tpu.memory_space<vmem>>
        %dma_start3A_498 = tpu.memref_squeeze %dma_start3A_497 : memref<1x1x128xi32, #tpu.memory_space<vmem>> -> memref<128xi32, #tpu.memory_space<vmem>>
        %dma_start3A_499 = arith.constant 0 : i32
        %dma_start3A_500 = arith.constant 0 : i32
        %dma_start3A_501 = tpu.memref_slice %arg3[%dma_start3A_499, %dma_start3A_500] : memref<258192x64xf32, #tpu.memory_space<hbm>> -> memref<258192x64xf32, #tpu.memory_space<hbm>>
        %dma_start3A_502 = tpu.memref_slice %arg9[%select_n3A_396] : memref<3x!tpu.dma_semaphore, #tpu.memory_space<semaphore_mem>> -> memref<1x!tpu.dma_semaphore, #tpu.memory_space<semaphore_mem>>
        %dma_start3A_503 = tpu.memref_squeeze %dma_start3A_502 : memref<1x!tpu.dma_semaphore, #tpu.memory_space<semaphore_mem>> -> memref<!tpu.dma_semaphore, #tpu.memory_space<semaphore_mem>>
        tpu.enqueue_indirect_dma source(%dma_start3A_501 : memref<258192x64xf32, #tpu.memory_space<hbm>>) target(%dma_start3A_495 : memref<128x64xf32, #tpu.memory_space<vmem>>) offsets(%dma_start3A_498 : memref<128xi32, #tpu.memory_space<vmem>>) semaphore(%dma_start3A_503 : memref<!tpu.dma_semaphore, #tpu.memory_space<semaphore_mem>>)
      } else {
      }
      %add3A_402 = arith.constant 3 : i32
      %add3A_403 = arith.addi %scan3A_300, %add3A_402 : i32
      %lt3A_404 = arith.constant 50 : i32
      %lt3A_405 = arith.cmpi slt, %add3A_403, %lt3A_404 : i32
      %convert_element_type3A_406 = arith.extui %lt3A_405 : i1 to i32
      %cond3A_407 = arith.constant 0 : i32
      %cond3A_408 = arith.cmpi ne, %convert_element_type3A_406, %cond3A_407 : i32
      scf.if %cond3A_408 {
        %add3A_409 = arith.constant 3 : i32
        %add3A_410 = arith.addi %scan3A_300, %add3A_409 : i32
        %add3A_411 = arith.constant 3 : i32
        %add3A_412 = arith.addi %scan3A_300, %add3A_411 : i32
        %jit3A_413 = arith.constant 3 : i32
        %eq3A_414 = arith.constant 0 : i32
        %eq3A_415 = arith.cmpi eq, %jit3A_413, %eq3A_414 : i32
        %jit3A_416 = arith.constant 1 : i32
        %select_n3A_417 = arith.select %eq3A_415, %jit3A_416, %jit3A_413 : i32
        %rem3A_418 = arith.remsi %add3A_412, %select_n3A_417 : i32
        %ne3A_419 = arith.constant 0 : i32
        %ne3A_420 = arith.cmpi ne, %rem3A_418, %ne3A_419 : i32
        %lt3A_421 = arith.constant 0 : i32
        %lt3A_422 = arith.cmpi slt, %rem3A_418, %lt3A_421 : i32
        %lt3A_423 = arith.constant 0 : i32
        %lt3A_424 = arith.cmpi slt, %select_n3A_417, %lt3A_423 : i32
        %ne3A_425 = arith.xori %lt3A_422, %lt3A_424 : i1
        %and3A_426 = arith.andi %ne3A_425, %ne3A_420 : i1
        %add3A_427 = arith.addi %rem3A_418, %select_n3A_417 : i32
        %select_n3A_428 = arith.select %and3A_426, %add3A_427, %rem3A_418 : i32
        %mul3A_429 = arith.constant 512 : i32
        %mul3A_430 = arith.muli %add3A_410, %mul3A_429 : i32
        %add3A_431 = arith.addi %mul3A_2, %mul3A_430 : i32
        %dma_start3A_432 = arith.constant 0 : i32
        %dma_start3A_433 = tpu.memref_slice %arg5[%select_n3A_428, %dma_start3A_432] : memref<3x512xi32, #tpu.memory_space<vmem>> -> memref<1x512xi32, #tpu.memory_space<vmem>>
        %dma_start3A_434 = tpu.memref_squeeze %dma_start3A_433 : memref<1x512xi32, #tpu.memory_space<vmem>> -> memref<512xi32, #tpu.memory_space<vmem>>
        %dma_start3A_435 = tpu.memref_slice %arg2[%add3A_431] : memref<819200xi32, #tpu.memory_space<hbm>> -> memref<512xi32, #tpu.memory_space<hbm>>
        %dma_start3A_436 = tpu.memref_slice %arg8[%select_n3A_428] : memref<3x!tpu.dma_semaphore, #tpu.memory_space<semaphore_mem>> -> memref<1x!tpu.dma_semaphore, #tpu.memory_space<semaphore_mem>>
        %dma_start3A_437 = tpu.memref_squeeze %dma_start3A_436 : memref<1x!tpu.dma_semaphore, #tpu.memory_space<semaphore_mem>> -> memref<!tpu.dma_semaphore, #tpu.memory_space<semaphore_mem>>
        %dma_start3A_438 = arith.constant 0 : i32
        %dma_start3A_439 = tpu.memref_slice %arg5[%select_n3A_428, %dma_start3A_438] : memref<3x512xi32, #tpu.memory_space<vmem>> -> memref<1x512xi32, #tpu.memory_space<vmem>>
        %dma_start3A_440 = tpu.memref_squeeze %dma_start3A_439 : memref<1x512xi32, #tpu.memory_space<vmem>> -> memref<512xi32, #tpu.memory_space<vmem>>
        %dma_start3A_441 = tpu.memref_slice %arg2[%add3A_431] : memref<819200xi32, #tpu.memory_space<hbm>> -> memref<512xi32, #tpu.memory_space<hbm>>
        tpu.enqueue_dma source(%dma_start3A_441 : memref<512xi32, #tpu.memory_space<hbm>>) target(%dma_start3A_440 : memref<512xi32, #tpu.memory_space<vmem>>) target_semaphore(%dma_start3A_437 : memref<!tpu.dma_semaphore, #tpu.memory_space<semaphore_mem>>)
      } else {
      }
    }
    %scan3A_251 = arith.constant 50 : i32
    %dma_wait3A_252 = arith.constant 0 : i32
    %dma_wait3A_253 = arith.constant 0 : i32
    %dma_wait3A_254 = arith.constant 0 : i32
    %dma_wait3A_255 = arith.constant 0 : i32
    %dma_wait3A_256 = tpu.memref_slice %arg7[%dma_wait3A_252, %dma_wait3A_254, %dma_wait3A_255] : memref<3x512x64xf32, #tpu.memory_space<vmem>> -> memref<1x512x64xf32, #tpu.memory_space<vmem>>
    %dma_wait3A_257 = tpu.memref_squeeze %dma_wait3A_256 : memref<1x512x64xf32, #tpu.memory_space<vmem>> -> memref<512x64xf32, #tpu.memory_space<vmem>>
    %dma_wait3A_258 = arith.constant 0 : i32
    %dma_wait3A_259 = tpu.memref_slice %arg4[%mul3A_2, %dma_wait3A_258] : memref<819200x64xf32, #tpu.memory_space<hbm>> -> memref<512x64xf32, #tpu.memory_space<hbm>>
    %dma_wait3A_260 = tpu.memref_slice %arg10[%dma_wait3A_253] : memref<3x!tpu.dma_semaphore, #tpu.memory_space<semaphore_mem>> -> memref<1x!tpu.dma_semaphore, #tpu.memory_space<semaphore_mem>>
    %dma_wait3A_261 = tpu.memref_squeeze %dma_wait3A_260 : memref<1x!tpu.dma_semaphore, #tpu.memory_space<semaphore_mem>> -> memref<!tpu.dma_semaphore, #tpu.memory_space<semaphore_mem>>
    %dma_wait3A_262 = arith.constant 0 : i32
    %dma_wait3A_263 = tpu.memref_slice %arg4[%mul3A_2, %dma_wait3A_262] : memref<819200x64xf32, #tpu.memory_space<hbm>> -> memref<512x64xf32, #tpu.memory_space<hbm>>
    %dma_wait3A_264 = arith.constant 0 : i32
    %dma_wait3A_265 = arith.constant 0 : i32
    %dma_wait3A_266 = tpu.memref_slice %arg7[%dma_wait3A_252, %dma_wait3A_264, %dma_wait3A_265] : memref<3x512x64xf32, #tpu.memory_space<vmem>> -> memref<1x512x64xf32, #tpu.memory_space<vmem>>
    %dma_wait3A_267 = tpu.memref_squeeze %dma_wait3A_266 : memref<1x512x64xf32, #tpu.memory_space<vmem>> -> memref<512x64xf32, #tpu.memory_space<vmem>>
    tpu.wait_dma2 semaphore(%dma_wait3A_261 : memref<!tpu.dma_semaphore, #tpu.memory_space<semaphore_mem>>) src(%dma_wait3A_267 : memref<512x64xf32, #tpu.memory_space<vmem>>) dst(%dma_wait3A_263 : memref<512x64xf32, #tpu.memory_space<hbm>>)
    %dma_wait3A_268 = arith.constant 1 : i32
    %dma_wait3A_269 = arith.constant 1 : i32
    %dma_wait3A_270 = arith.constant 0 : i32
    %dma_wait3A_271 = arith.constant 0 : i32
    %dma_wait3A_272 = tpu.memref_slice %arg7[%dma_wait3A_268, %dma_wait3A_270, %dma_wait3A_271] : memref<3x512x64xf32, #tpu.memory_space<vmem>> -> memref<1x512x64xf32, #tpu.memory_space<vmem>>
    %dma_wait3A_273 = tpu.memref_squeeze %dma_wait3A_272 : memref<1x512x64xf32, #tpu.memory_space<vmem>> -> memref<512x64xf32, #tpu.memory_space<vmem>>
    %dma_wait3A_274 = arith.constant 0 : i32
    %dma_wait3A_275 = tpu.memref_slice %arg4[%mul3A_2, %dma_wait3A_274] : memref<819200x64xf32, #tpu.memory_space<hbm>> -> memref<512x64xf32, #tpu.memory_space<hbm>>
    %dma_wait3A_276 = tpu.memref_slice %arg10[%dma_wait3A_269] : memref<3x!tpu.dma_semaphore, #tpu.memory_space<semaphore_mem>> -> memref<1x!tpu.dma_semaphore, #tpu.memory_space<semaphore_mem>>
    %dma_wait3A_277 = tpu.memref_squeeze %dma_wait3A_276 : memref<1x!tpu.dma_semaphore, #tpu.memory_space<semaphore_mem>> -> memref<!tpu.dma_semaphore, #tpu.memory_space<semaphore_mem>>
    %dma_wait3A_278 = arith.constant 0 : i32
    %dma_wait3A_279 = tpu.memref_slice %arg4[%mul3A_2, %dma_wait3A_278] : memref<819200x64xf32, #tpu.memory_space<hbm>> -> memref<512x64xf32, #tpu.memory_space<hbm>>
    %dma_wait3A_280 = arith.constant 0 : i32
    %dma_wait3A_281 = arith.constant 0 : i32
    %dma_wait3A_282 = tpu.memref_slice %arg7[%dma_wait3A_268, %dma_wait3A_280, %dma_wait3A_281] : memref<3x512x64xf32, #tpu.memory_space<vmem>> -> memref<1x512x64xf32, #tpu.memory_space<vmem>>
    %dma_wait3A_283 = tpu.memref_squeeze %dma_wait3A_282 : memref<1x512x64xf32, #tpu.memory_space<vmem>> -> memref<512x64xf32, #tpu.memory_space<vmem>>
    tpu.wait_dma2 semaphore(%dma_wait3A_277 : memref<!tpu.dma_semaphore, #tpu.memory_space<semaphore_mem>>) src(%dma_wait3A_283 : memref<512x64xf32, #tpu.memory_space<vmem>>) dst(%dma_wait3A_279 : memref<512x64xf32, #tpu.memory_space<hbm>>)
    %dma_wait3A_284 = arith.constant 2 : i32
    %dma_wait3A_285 = arith.constant 2 : i32
    %dma_wait3A_286 = arith.constant 0 : i32
    %dma_wait3A_287 = arith.constant 0 : i32
    %dma_wait3A_288 = tpu.memref_slice %arg7[%dma_wait3A_284, %dma_wait3A_286, %dma_wait3A_287] : memref<3x512x64xf32, #tpu.memory_space<vmem>> -> memref<1x512x64xf32, #tpu.memory_space<vmem>>
    %dma_wait3A_289 = tpu.memref_squeeze %dma_wait3A_288 : memref<1x512x64xf32, #tpu.memory_space<vmem>> -> memref<512x64xf32, #tpu.memory_space<vmem>>
    %dma_wait3A_290 = arith.constant 0 : i32
    %dma_wait3A_291 = tpu.memref_slice %arg4[%mul3A_2, %dma_wait3A_290] : memref<819200x64xf32, #tpu.memory_space<hbm>> -> memref<512x64xf32, #tpu.memory_space<hbm>>
    %dma_wait3A_292 = tpu.memref_slice %arg10[%dma_wait3A_285] : memref<3x!tpu.dma_semaphore, #tpu.memory_space<semaphore_mem>> -> memref<1x!tpu.dma_semaphore, #tpu.memory_space<semaphore_mem>>
    %dma_wait3A_293 = tpu.memref_squeeze %dma_wait3A_292 : memref<1x!tpu.dma_semaphore, #tpu.memory_space<semaphore_mem>> -> memref<!tpu.dma_semaphore, #tpu.memory_space<semaphore_mem>>
    %dma_wait3A_294 = arith.constant 0 : i32
    %dma_wait3A_295 = tpu.memref_slice %arg4[%mul3A_2, %dma_wait3A_294] : memref<819200x64xf32, #tpu.memory_space<hbm>> -> memref<512x64xf32, #tpu.memory_space<hbm>>
    %dma_wait3A_296 = arith.constant 0 : i32
    %dma_wait3A_297 = arith.constant 0 : i32
    %dma_wait3A_298 = tpu.memref_slice %arg7[%dma_wait3A_284, %dma_wait3A_296, %dma_wait3A_297] : memref<3x512x64xf32, #tpu.memory_space<vmem>> -> memref<1x512x64xf32, #tpu.memory_space<vmem>>
    %dma_wait3A_299 = tpu.memref_squeeze %dma_wait3A_298 : memref<1x512x64xf32, #tpu.memory_space<vmem>> -> memref<512x64xf32, #tpu.memory_space<vmem>>
    tpu.wait_dma2 semaphore(%dma_wait3A_293 : memref<!tpu.dma_semaphore, #tpu.memory_space<semaphore_mem>>) src(%dma_wait3A_299 : memref<512x64xf32, #tpu.memory_space<vmem>>) dst(%dma_wait3A_295 : memref<512x64xf32, #tpu.memory_space<hbm>>)
    return
  }
}

</mosaic_0001>

<sc_bundles>
// kernel: kernel.3.cloned.1.call-start
scs
__scs_entry_jumppad:
0x0: {  	(pc) =	sbr.rel $0x88, $3  }
0x1: {  	(tag) =	ssettag $0x0;
	lr =	simm.s32 $0x1  }
0x2: {  	[smem:$0x3F9F] =	sst lr;
	_ =	strace $0xD0000000  }
0x3: {  	_ = 	snop  }
0x4: {  	_ = 	snop  }
0x5: {  	_ = 	snop  }
0x6: {  	_ = 	snop  }
0x7: {  	_ = 	snop  }
__scs_overlays_trampoline_lowered:
0x8: {  	[smem:$0x3FAE] =	sst s0  }
0x9: {  	[smem:$0x3FAF] =	sst s1  }
0xa: {  	[smem:$0x3FB0] =	sst s2  }
0xb: {  	[smem:$0x3FB1] =	sst s3  }
0xc: {  	[smem:$0x3FB2] =	sst s4  }
0xd: {  	[smem:$0x3FB3] =	sst s5  }
0xe: {  	[smem:$0x3FB4] =	sst s6  }
0xf: {  	[smem:$0x3FB5] =	sst s7  }
0x10: {  	[smem:$0x3FB6] =	sst s8  }
0x11: {  	[smem:$0x3FB7] =	sst s9;
	s0 =	simm.s32 @!p0 $0x0  }
0x12: {  	s1 =	sld [smem:$0x3F9D];
	s0 =	simm.s32 @p0 $0x1  }
0x13: {  	[smem:$0x3FB8] =	sst s0;
	s0 =	simm.s32 @!p1 $0x0  }
0x14: {  	s2 =	sld [smem:$0x3F9C];
	s0 =	simm.s32 @p1 $0x1  }
0x15: {  	[smem:$0x3FB9] =	sst s0;
	s0 =	simm.s32 @!p2 $0x0  }
0x16: {  	s3 =	sld [smem:$0x3FDB];
	s0 =	simm.s32 @p2 $0x1  }
0x17: {  	s4 =	simm.s32 $0x1BF5;
	[smem:$0x3FBB] =	sst s0  }
0x18: {  	s0 =	sld [smem:$0x3F9E];
	_ =	swait.ge [sflag:s4], $0x0  }
0x19: {  	s7 =	sld [smem:$0x3F9F]  }
0x1a: {  	s8 =	sadd.s32 $0xFFFFE003, lr  }
0x1b: {  	s9 =	sadd.s32 $0xFFFFFEF7, lr;
	s5 =	simm.s32 $0xFFFFFFFF;
	p2 =	slt.u32 s8, $0xFFFFF086  }
0x1c: {  	p1 =	slt.u32 s9, $0xF7A;
	s5 =	simm.s32 @!p2 $0x0  }
0x1d: {  	s5 =	simm.s32 @p1 $0x1;
	p0 =	seq.s32 s7, s2  }
0x1e: {  	s7 =	smul.u32 @!p0 $0xF7A, s2;
	p2 =	seq.s32 @!p0 s5, $0x0  }
0x1f: {  	s9 =	smul.u32 $0xF7A, s1;
	s8 =	simm.s32 @!p0 $0x1BF5;
	p2 =	por !p2, p0  }
0x20: {  	[sflag:s8] =	ssyncset.s32 @!p0 $0xFFFFF086;
	s6 =	sadd.s32 @!p0 s3, s7;
	s7 =	simm.s32 @!p0 $0x108  }
0x21: {  	s3 =	sadd.s32 s3, s9;
	s6 =	sadd.s32 @!p0 $0x88, s6;
	s7 =	simm.s32 @p2 $0x1082  }
0x22: {  	[simem:s7], [sflag:s8] =	dma.local @!p0 [hbm:s6], $0xF7A  }
0x23: {  	s9 =	sor.u32 $0xD0000000, s2;
	s6 =	simm.s32 $0x108;
	_ =	swait.ge @!p0 [sflag:s8], $0x0  }
0x24: {  	s3 =	sadd.s32 $0x88, s3;
	s6 =	simm.s32 @!p1 $0x1082;
	[sflag:s4] =	ssyncset.s32 $0xFFFFF086  }
0x25: {  	[simem:s6], [sflag:s4] =	dma.local [hbm:s3], $0xF7A  }
0x26: {  	[smem:$0x3F9F] =	sst s1;
	(tag) =	ssettag s2;
	_ =	strace s9  }
0x27: {  	s1 =	sld [smem:$0x3FAF]  }
0x28: {  	s2 =	sld [smem:$0x3FB0]  }
0x29: {  	s4 =	sld [smem:$0x3FB2]  }
0x2a: {  	p0 =	seq.s32 s5, $0x0;
	s5 =	sld [smem:$0x3FB3]  }
0x2b: {  	s6 =	sld [smem:$0x3FB4]  }
0x2c: {  	s7 =	sld [smem:$0x3FB5]  }
0x2d: {  	s3 =	simm.s32 $0x108;
	s8 =	sld [smem:$0x3FB6]  }
0x2e: {  	s3 =	simm.s32 @!p0 $0x1082;
	s9 =	sld [smem:$0x3FB7]  }
0x2f: {  	lr =	sadd.s32 s0, s3;
	s0 =	sld [smem:$0x3FAE]  }
0x30: {  	s3 =	sld [smem:$0x3FB1]  }
0x31: {  	[smem:$0x3FBA] =	sst s10  }
0x32: {  	s10 =	sld [smem:$0x3FB8];
	_ =	sdelay $0x3  }
0x33: {  	p0 =	seq.s32 s10, $0x1;
	s10 =	sld [smem:$0x3FBA];
	_ =	sdelay $0x3  }
0x34: {  	[smem:$0x3FBA] =	sst s10  }
0x35: {  	s10 =	sld [smem:$0x3FB9];
	_ =	sdelay $0x3  }
0x36: {  	p1 =	seq.s32 s10, $0x1;
	s10 =	sld [smem:$0x3FBA];
	_ =	sdelay $0x3  }
0x37: {  	[smem:$0x3FBA] =	sst s10  }
0x38: {  	s10 =	sld [smem:$0x3FBB]  }
0x39: {  	_ = 	snop;
	(pc) =	sbr.ind lr, $3  }
0x3a: {  	_ = 	snop  }
0x3b: {  	_ = 	snop  }
0x3c: {  	p2 =	seq.s32 s10, $0x1;
	s10 =	sld [smem:$0x3FBA]  }
0x3d: {  	_ =	shalt  }
0x3e: {  	_ =	shalt  }
0x3f: {  	_ =	shalt  }
0x40: {  	_ =	shalt  }
0x41: {  	_ =	shalt  }
0x42: {  	_ =	shalt  }
0x43: {  	_ =	shalt  }
0x44: {  	_ =	shalt  }
0x45: {  	_ =	shalt  }
0x46: {  	_ =	shalt  }
0x47: {  	_ =	shalt  }
0x48: {  	_ =	shalt  }
0x49: {  	_ =	shalt  }
0x4a: {  	_ =	shalt  }
0x4b: {  	_ =	shalt  }
0x4c: {  	_ =	shalt  }
0x4d: {  	_ =	shalt  }
0x4e: {  	_ =	shalt  }
0x4f: {  	_ =	shalt  }
0x50: {  	_ =	shalt  }
0x51: {  	_ =	shalt  }
0x52: {  	_ =	shalt  }
0x53: {  	_ =	shalt  }
0x54: {  	_ =	shalt  }
0x55: {  	_ =	shalt  }
0x56: {  	_ =	shalt  }
0x57: {  	_ =	shalt  }
0x58: {  	_ =	shalt  }
0x59: {  	_ =	shalt  }
0x5a: {  	_ =	shalt  }
0x5b: {  	_ =	shalt  }
0x5c: {  	_ =	shalt  }
0x5d: {  	_ =	shalt  }
0x5e: {  	_ =	shalt  }
0x5f: {  	_ =	shalt  }
0x60: {  	_ =	shalt  }
0x61: {  	_ =	shalt  }
0x62: {  	_ =	shalt  }
0x63: {  	_ =	shalt  }
0x64: {  	_ =	shalt  }
0x65: {  	_ =	shalt  }
0x66: {  	_ =	shalt  }
0x67: {  	_ =	shalt  }
0x68: {  	_ =	shalt  }
0x69: {  	_ =	shalt  }
0x6a: {  	_ =	shalt  }
0x6b: {  	_ =	shalt  }
0x6c: {  	_ =	shalt  }
0x6d: {  	_ =	shalt  }
0x6e: {  	_ =	shalt  }
0x6f: {  	_ =	shalt  }
0x70: {  	_ =	shalt  }
0x71: {  	_ =	shalt  }
0x72: {  	_ =	shalt  }
0x73: {  	_ =	shalt  }
0x74: {  	_ =	shalt  }
0x75: {  	_ =	shalt  }
0x76: {  	_ =	shalt  }
0x77: {  	_ =	shalt  }
0x78: {  	_ =	shalt  }
0x79: {  	_ =	shalt  }
0x7a: {  	_ =	shalt  }
0x7b: {  	_ =	shalt  }
0x7c: {  	_ =	shalt  }
0x7d: {  	_ =	shalt  }
0x7e: {  	_ =	shalt  }
0x7f: {  	_ =	shalt  }
0x80: {  	_ =	shalt  }
0x81: {  	_ =	shalt  }
0x82: {  	_ =	shalt  }
0x83: {  	_ =	shalt  }
0x84: {  	_ =	shalt  }
0x85: {  	_ =	shalt  }
0x86: {  	_ =	shalt  }
0x87: {  	_ =	shalt  }
.Lfunc_end0:
.L_simem_size_0:
called_computation.1_lowered:
.L_overlay_start_0:
0x88: {  	s2 =	sld [smem:$0x3FD9]  }
0x89: {  	s3 =	sld [smem:$0x3FFE];
	_ =	sdelay $0x1  }
0x8a: {  	s1 =	srdreg.scid  }
0x8b: {  	s0 =	sand.u32 $0x1, s1  }
0x8c: {  	s17 =	sshll.u32 s0, $0xA;
	s2 =	sadd.s32 s3, s2  }
0x8d: {  	s2 =	sadd.s32 s2, s17  }
0x8e: {  	[smem:$0x3FC6] =	sst s2  }
0x8f: {  	_ = 	snop  }
0x90: {  	s2 =	sld [smem:$0x3FD0];
	(tm) =	ssettm $0x1  }
0x91: {  	s18 =	sld [smem:$0x3FFB];
	_ =	sdelay $0x3  }
0x92: {  	_ =	strace s18  }
0x93: {  	s3 =	sld [smem:$0x3FFC];
	_ =	sdelay $0x3  }
0x94: {  	_ =	strace s3  }
0x95: {  	s3 =	sld [smem:$0x3FFD];
	_ =	sdelay $0x3  }
0x96: {  	_ =	strace s3  }
0x97: {  	_ =	strace $0x8FFFFFFF  }
0x98: {  	s19 =	sld [smem:$0x3FDB];
	_ =	sdelay $0x1  }
0x99: {  	s4 =	simm.s32 $_scs_section_size  }
0x9a: {  	s5 =	simm.s32 $_size__tile_overlayer_lowered;
	s6 =	simm.s32 $_tile_overlayer_lowered  }
0x9b: {  	s22 =	simm.s32 $0x1BFF;
	s21 =	sshll.u32 s6, $0x1;
	s3 =	sadd.s32 s4, s19  }
0x9c: {  	s7 =	simm.s32 $0x0;
	s20 =	sshll.u32 s5, $0x1;
	s5 =	sadd.s32 s21, s3  }
0x9d: {  	[timem:s7], [sflag:s22] =	dma.local [hbm:s5], s20  }
0x9e: {  	_ =	swait.ge [sflag:s22], s20  }
0x9f: {  	s4 =	ssub.s32 $0x0, s20;
	[sflag:s22] =	ssyncset.done $0x0  }
0xa0: {  	[sflag:s22] =	ssyncadd.s32 s4;
	_ =	sdelay $0x1  }
0xa1: {  	s23 =	simm.s32 $0x1B8B  }
0xa2: {  	_ =	swait.ge [sflag:s23], $0x1  }
0xa3: {  	[sflag:s23] =	ssyncset.done $0x0  }
0xa4: {  	s25 =	simm.s32 $0x1B8E;
	s24 =	sld [smem:$0x3FFE];
	[sflag:s23] =	ssyncadd.s32 $0xFFFFFFFF  }
0xa5: {  	s26 =	simm.s32 $execute0_lowered;
	[smem:$0x3FD2] =	sst s25  }
0xa6: {  	s5 =	sshll.u32 s26, $0x1;
	_ =	strace $0x80000046;
	[dreg:$0x1] =	wrdreg $0xFFFFFFFF  }
0xa7: {  	s28 =	simm.s32 $_size_execute0_lowered;
	s3 =	sadd.s32 s3, s5;
	[dreg:$0x0] =	wrdreg $0x0  }
0xa8: {  	s5 =	sshll.u32 s28, $0x1;
	[dreg:$0x2] =	wrdreg s3  }
0xa9: {  	[dreg:$0x3] =	wrdreg s5  }
0xaa: {  	[dreg:$0x4] =	wrdreg $0xC0  }
0xab: {  	_ =	task [dreg:s7], $0x5FFFF  }
0xac: {  	[dreg:$0x1] =	wrdreg $0xFFFFFFFF  }
0xad: {  	[dreg:$0x0] =	wrdreg $0x60  }
0xae: {  	[dreg:$0x2] =	wrdreg s24  }
0xaf: {  	[dreg:$0x3] =	wrdreg s2  }
0xb0: {  	[dreg:$0x4] =	wrdreg $0x9  }
0xb1: {  	_ =	task.clear_ibuf [dreg:s7], $0x5FFFF;
	_ =	strace $0x90000046  }
0xb2: {  	s29 =	simm.s32 $0x9;
	_ =	strace $0x80000048  }
0xb3: {  	_ =	swait.ge [sflag:s29], $0x1  }
0xb4: {  	[sflag:s29] =	ssyncadd.s32 $0xFFFFFFFF  }
0xb5: {  	_ =	strace $0x90000048  }
0xb6: {  	_ =	sfence  }
0xb7: {  	s30 =	sld [smem:$0x0];
	_ =	sdelay $0x2  }
0xb8: {  	s31 =	sshll.u32 s1, $0xD;
	s1 =	sshrl.u32 s1, $0x2  }
0xb9: {  	s3 =	sand.u32 $0x4000, s31;
	s1 =	sadd.s32 s1, s30  }
0xba: {  	s0 =	sor.u32 s3, s0;
	s1 =	sshll.u32 s1, $0x11  }
0xbb: {  	s0 =	sor.u32 s1, s0  }
0xbc: {  	s0 =	sadd.s32 $0x8F2B, s0  }
0xbd: {  	[sflag:s0] =	ssyncadd.remote.s32 $0x1  }
0xbe: {  	_ =	sfence.sel $0xFFFF  }
0xbf: {  	[dreg:$0x0] =	wrdreg $0xFFFFFFFF;
	(pc) =	sbr.abs _section_cstart, $3  }
0xc0: {  	[dreg:$0x1] =	wrdreg $0xFFFFFFFF  }
0xc1: {  	_ =	task.clear_ibuf [dreg:s7], $0x2FFFF;
	_ =	strace $0x9FFFFFFF  }
0xc2: {  	(tm) =	ssettm $0x7FFFFFFF  }
0xc3: {  	_ =	shalt  }
tec
execute0_lowered:
.L_overlay_start_1:
0x0: {  	(tag) =	ssettag $0x1  }
0x1: {  	s0 =	rddreg [dreg:$0x0]  }
0x2: {  	s1 =	srdreg.scid;
	s7 =	stileid.u32  }
0x3: {  	s8 =	rddreg [dreg:$0x1];
	s2 =	simm.s32 $0x0;
	s12 =	simm.s32 $0x1  }
0x4: {  	s13 =	simm.s32 $0x80;
	s22 =	simm.s32 $0x2;
	s23 =	simm.s32 $0x800  }
0x5: {  	s24 =	simm.s32 $0x8C00;
	s25 =	simm.s32 $0x880;
	s28 =	simm.s32 $0x900  }
0x6: {  	s29 =	simm.s32 $0xCC00;
	s30 =	simm.s32 $0x980;
	s31 =	simm.s32 $0xEC00  }
0x7: {  	s11 =	simm.s32 $0x0;
	s1 =	sand.u32 $0x1, s1;
	s6 =	smul.u32 $0xC800, s7  }
0x8: {  	s3 =	sshll.u32 s7, $0x1;
	[smem:$0x7FF] =	sst s2;
	s7 =	smul.u32 $0x320000, s7  }
0x9: {  	s9 =	sadd.s32 $0x800, s0;
	s3 =	sor.u32 s1, s3;
	s26 =	smul.u32 $0x6400, s1  }
0xa: {  	_ =	strace $0x80000047;
	s5 =	ssub.s32 $0x2, s1;
	s1 =	smul.u32 $0x190000, s1  }
0xb: {  	s4 =	smul.u32 $0x6400, s3;
	s3 =	sadd.s32 $0x19800, s0;
	s10 =	sshrl.u32 s5, $0x1  }
0xc: {  	s10 =	ssub.s32 s5, s10;
	s0 =	sadd.s32 s26, s6;
	s1 =	sadd.s32 s1, s7  }
.Ltmp0:
0xd: {  	s26 =	simm.s32 $0xAC00;
	s4 =	sshrl.u32 s4, $0x3;
	(pc) =	sbr.rel .LBB2_1-.Ltmp0, $4  }
0xe: {  	s0 =	sadd.s32 $0x600, s0;
	s7 =	smax.u32 s10, $0x1;
	s1 =	sshrl.u32 s1, $0x3  }
0xf: {  	s10 =	simm.s32 $0x9;
	s4 =	sadd.s32 s9, s4;
	s0 =	sshrl.u32 s0, $0x3  }
0x10: {  	s15 =	sadd.s32 s1, s8;
	s1 =	simm.s32 $0x7;
	s5 =	sadd.s32 $0x40, s4  }
0x11: {  	s6 =	sadd.s32 $0x80, s4;
	s16 =	sadd.s32 s0, s9;
	s0 =	simm.s32 $0x8  }
.LBB2_5:
0x12: {  	_ =	swait.ge [sflag:s1], $0x8000  }
0x13: {  	[sflag:s1] =	ssyncset.done $0x0  }
0x14: {  	s11 =	sadd.s32 $0x1, s11;
	[sflag:s1] =	ssyncadd.s32 $0xFFFF8000  }
0x15: {  	p0 =	sne.s32 s11, s7;
	_ =	swait.ge [sflag:s0], $0x8000  }
.Ltmp1:
0x16: {  	[sflag:s0] =	ssyncset.done $0x0;
	(pc) =	sbr.rel @!p0 .LBB2_6-.Ltmp1, $4  }
0x17: {  	[sflag:s0] =	ssyncadd.s32 $0xFFFF8000  }
0x18: {  	_ =	swait.ge [sflag:s10], $0x8000  }
0x19: {  	[sflag:s10] =	ssyncset.done $0x0  }
0x1a: {  	[sflag:s10] =	ssyncadd.s32 $0xFFFF8000  }
.LBB2_1:
0x1b: {  	[tilespmem:s2], [sflag:$0x1] =	stream.linear.gather [hbm4b:s4+s2], $0x200, $0x38;
	[tilespmem:$0x18C00] =	vst v63  }
0x1c: {  	s8 =	simm.s32 $0x200  }
0x1d: {  	[tilespmem:s8], [sflag:$0x2] =	stream.linear.gather [hbm4b:s5+s2], $0x200, $0x38;
	[tilespmem:$0x18C00] =	vst v63  }
0x1e: {  	s20 =	simm.s32 $0x400  }
0x1f: {  	[tilespmem:s20], [sflag:$0x3] =	stream.linear.gather [hbm4b:s6+s2], $0x200, $0x38;
	[tilespmem:$0x18C00] =	vst v63  }
0x20: {  	_ =	swait.ge [sflag:s12], $0x200  }
0x21: {  	[sflag:s12] =	ssyncset.done $0x0  }
0x22: {  	[sflag:s12] =	ssyncadd.s32 $0xFFFFFE00  }
0x23: {  	v0 =	vld [tilespmem:$0x0]  }
0x24: {  	v1 =	vld [tilespmem:$0x10]  }
0x25: {  	v2 =	vld [tilespmem:$0x20]  }
0x26: {  	v4 =	vld [tilespmem:$0x30]  }
0x27: {  	v6 =	vld [tilespmem:$0x40]  }
0x28: {  	v56 =	vld [tilespmem:$0x50]  }
0x29: {  	v8 =	vld [tilespmem:$0x60]  }
0x2a: {  	v9 =	vld [tilespmem:$0x70]  }
0x2b: {  	v3 =	vadd.s32 $0xFFFC2F70, v0;
	v0 =	vand.u32 $0x1FFF, v0;
	v5 =	vadd.s32 $0xFFFC2F70, v1  }
0x2c: {  	v1 =	vand.u32 $0x1FFF, v1;
	v55 =	vadd.s32 $0xFFFC2F70, v2;
	v2 =	vand.u32 $0x1FFF, v2  }
0x2d: {  	v7 =	vadd.s32 $0xFFFC2F70, v4;
	v57 =	vand.u32 $0x1FFF, v4;
	v58 =	vadd.s32 $0xFFFC2F70, v6  }
0x2e: {  	v6 =	vand.u32 $0x1FFF, v6;
	v62 =	vadd.s32 $0xFFFC2F70, v56;
	v63 =	vand.u32 $0x1FFF, v56  }
0x2f: {  	v11 =	vadd.s32 $0xFFFC2F70, v8;
	v13 =	vand.u32 $0x1FFF, v8;
	v15 =	vadd.s32 $0xFFFC2F70, v9  }
0x30: {  	v16 =	vand.u32 $0x1FFF, v9;
	vm0 =	vlt.u32 v3, $0x3D090;
	v0 =	vadd.s32 $0x3D090, v0  }
0x31: {  	vm13 =	vlt.u32 v5, $0x3D090;
	v1 =	vadd.s32 $0x3D090, v1;
	v0 =	vsel vm0, v3, v0  }
0x32: {  	vm14 =	vlt.u32 v55, $0x3D090;
	v2 =	vadd.s32 $0x3D090, v2;
	v1 =	vsel vm13, v5, v1;
	[tilespmem:$0x600] =	vst v0  }
0x33: {  	vm4 =	vlt.u32 v58, $0x3D090;
	v60 =	vadd.s32 $0x3D090, v6;
	v2 =	vsel vm14, v55, v2;
	[tilespmem:$0x610] =	vst v1  }
0x34: {  	vm5 =	vlt.u32 v62, $0x3D090;
	v10 =	vadd.s32 $0x3D090, v63;
	v61 =	vsel vm4, v58, v60;
	[tilespmem:$0x620] =	vst v2  }
0x35: {  	vm6 =	vlt.u32 v11, $0x3D090;
	v14 =	vadd.s32 $0x3D090, v13;
	v12 =	vsel vm5, v62, v10;
	[tilespmem:$0x640] =	vst v61  }
0x36: {  	vm7 =	vlt.u32 v15, $0x3D090;
	v18 =	vadd.s32 $0x3D090, v16;
	v17 =	vsel vm6, v11, v14;
	[tilespmem:$0x650] =	vst v12  }
0x37: {  	vm15 =	vlt.u32 v7, $0x3D090;
	v3 =	vadd.s32 $0x3D090, v57;
	v19 =	vsel vm7, v15, v18;
	[tilespmem:$0x660] =	vst v17  }
0x38: {  	v59 =	vsel vm15, v7, v3;
	[tilespmem:$0x670] =	vst v19  }
0x39: {  	s21 =	simm.s32 $0x600;
	s9 =	simm.s32 $0xC00;
	[tilespmem:$0x630] =	vst v59  }
0x3a: {  	[tilespmem:s9], [sflag:$0x4] =	stream.indirect.gather [hbm4b:s3+s13], $0x40, s21, s13, $0xb8;
	[tilespmem:$0x18C00] =	vst v63  }
0x3b: {  	v20 =	vld [tilespmem:$0x80]  }
0x3c: {  	v21 =	vld [tilespmem:$0x90]  }
0x3d: {  	v22 =	vld [tilespmem:$0xA0]  }
0x3e: {  	v24 =	vld [tilespmem:$0xB0]  }
0x3f: {  	v26 =	vld [tilespmem:$0xC0]  }
0x40: {  	v28 =	vld [tilespmem:$0xD0]  }
0x41: {  	v30 =	vld [tilespmem:$0xE0]  }
0x42: {  	v33 =	vld [tilespmem:$0xF0]  }
0x43: {  	v23 =	vadd.s32 $0xFFFC2F70, v20;
	v0 =	vand.u32 $0x1FFF, v20;
	v25 =	vadd.s32 $0xFFFC2F70, v21  }
0x44: {  	v1 =	vand.u32 $0x1FFF, v21;
	v27 =	vadd.s32 $0xFFFC2F70, v22;
	v2 =	vand.u32 $0x1FFF, v22  }
0x45: {  	v29 =	vadd.s32 $0xFFFC2F70, v24;
	v31 =	vand.u32 $0x1FFF, v24;
	v32 =	vadd.s32 $0xFFFC2F70, v26  }
0x46: {  	v6 =	vand.u32 $0x1FFF, v26;
	v37 =	vadd.s32 $0xFFFC2F70, v28;
	v38 =	vand.u32 $0x1FFF, v28  }
0x47: {  	v40 =	vadd.s32 $0xFFFC2F70, v30;
	v42 =	vand.u32 $0x1FFF, v30;
	v44 =	vadd.s32 $0xFFFC2F70, v33  }
0x48: {  	v45 =	vand.u32 $0x1FFF, v33;
	vm8 =	vlt.u32 v23, $0x3D090;
	v0 =	vadd.s32 $0x3D090, v0  }
0x49: {  	vm9 =	vlt.u32 v25, $0x3D090;
	v1 =	vadd.s32 $0x3D090, v1;
	v0 =	vsel vm8, v23, v0  }
0x4a: {  	vm10 =	vlt.u32 v27, $0x3D090;
	v2 =	vadd.s32 $0x3D090, v2;
	v1 =	vsel vm9, v25, v1;
	[tilespmem:$0x680] =	vst v0  }
0x4b: {  	vm11 =	vlt.u32 v29, $0x3D090;
	v3 =	vadd.s32 $0x3D090, v31;
	v2 =	vsel vm10, v27, v2;
	[tilespmem:$0x690] =	vst v1  }
0x4c: {  	vm12 =	vlt.u32 v32, $0x3D090;
	v35 =	vadd.s32 $0x3D090, v6;
	v34 =	vsel vm11, v29, v3;
	[tilespmem:$0x6A0] =	vst v2  }
0x4d: {  	vm13 =	vlt.u32 v37, $0x3D090;
	v39 =	vadd.s32 $0x3D090, v38;
	v36 =	vsel vm12, v32, v35;
	[tilespmem:$0x6B0] =	vst v34  }
0x4e: {  	vm14 =	vlt.u32 v40, $0x3D090;
	v43 =	vadd.s32 $0x3D090, v42;
	v41 =	vsel vm13, v37, v39;
	[tilespmem:$0x6C0] =	vst v36  }
0x4f: {  	vm15 =	vlt.u32 v44, $0x3D090;
	v47 =	vadd.s32 $0x3D090, v45;
	v46 =	vsel vm14, v40, v43;
	[tilespmem:$0x6D0] =	vst v41  }
0x50: {  	v48 =	vsel vm15, v44, v47;
	[tilespmem:$0x6E0] =	vst v46  }
0x51: {  	s14 =	simm.s32 $0x680;
	s17 =	simm.s32 $0x2C00;
	[tilespmem:$0x6F0] =	vst v48  }
0x52: {  	[tilespmem:s17], [sflag:$0x4] =	stream.indirect.gather [hbm4b:s3+s13], $0x40, s14, s13, $0xb8;
	[tilespmem:$0x18C00] =	vst v63  }
0x53: {  	v49 =	vld [tilespmem:$0x100]  }
0x54: {  	v50 =	vld [tilespmem:$0x110]  }
0x55: {  	v51 =	vld [tilespmem:$0x120]  }
0x56: {  	v53 =	vld [tilespmem:$0x130]  }
0x57: {  	v55 =	vld [tilespmem:$0x140]  }
0x58: {  	v57 =	vld [tilespmem:$0x150]  }
0x59: {  	v59 =	vld [tilespmem:$0x160]  }
0x5a: {  	v62 =	vld [tilespmem:$0x170]  }
0x5b: {  	v52 =	vadd.s32 $0xFFFC2F70, v49;
	v0 =	vand.u32 $0x1FFF, v49;
	v54 =	vadd.s32 $0xFFFC2F70, v50  }
0x5c: {  	v1 =	vand.u32 $0x1FFF, v50;
	v56 =	vadd.s32 $0xFFFC2F70, v51;
	v2 =	vand.u32 $0x1FFF, v51  }
0x5d: {  	v58 =	vadd.s32 $0xFFFC2F70, v53;
	v60 =	vand.u32 $0x1FFF, v53;
	v61 =	vadd.s32 $0xFFFC2F70, v55  }
0x5e: {  	v6 =	vand.u32 $0x1FFF, v55;
	v12 =	vadd.s32 $0xFFFC2F70, v57;
	v13 =	vand.u32 $0x1FFF, v57  }
0x5f: {  	v15 =	vadd.s32 $0xFFFC2F70, v59;
	v17 =	vand.u32 $0x1FFF, v59;
	v19 =	vadd.s32 $0xFFFC2F70, v62  }
0x60: {  	v20 =	vand.u32 $0x1FFF, v62;
	vm4 =	vlt.u32 v52, $0x3D090;
	v0 =	vadd.s32 $0x3D090, v0  }
0x61: {  	vm5 =	vlt.u32 v54, $0x3D090;
	v1 =	vadd.s32 $0x3D090, v1;
	v0 =	vsel vm4, v52, v0  }
0x62: {  	vm6 =	vlt.u32 v56, $0x3D090;
	v2 =	vadd.s32 $0x3D090, v2;
	v1 =	vsel vm5, v54, v1;
	[tilespmem:$0x700] =	vst v0  }
0x63: {  	vm7 =	vlt.u32 v58, $0x3D090;
	v3 =	vadd.s32 $0x3D090, v60;
	v2 =	vsel vm6, v56, v2;
	[tilespmem:$0x710] =	vst v1  }
0x64: {  	vm8 =	vlt.u32 v61, $0x3D090;
	v10 =	vadd.s32 $0x3D090, v6;
	v63 =	vsel vm7, v58, v3;
	[tilespmem:$0x720] =	vst v2  }
0x65: {  	vm9 =	vlt.u32 v12, $0x3D090;
	v14 =	vadd.s32 $0x3D090, v13;
	v11 =	vsel vm8, v61, v10;
	[tilespmem:$0x730] =	vst v63  }
0x66: {  	vm10 =	vlt.u32 v15, $0x3D090;
	v18 =	vadd.s32 $0x3D090, v17;
	v16 =	vsel vm9, v12, v14;
	[tilespmem:$0x740] =	vst v11  }
0x67: {  	vm11 =	vlt.u32 v19, $0x3D090;
	v22 =	vadd.s32 $0x3D090, v20;
	v21 =	vsel vm10, v15, v18;
	[tilespmem:$0x750] =	vst v16  }
0x68: {  	v23 =	vsel vm11, v19, v22;
	[tilespmem:$0x760] =	vst v21  }
0x69: {  	s18 =	simm.s32 $0x700;
	s19 =	simm.s32 $0x4C00;
	[tilespmem:$0x770] =	vst v23  }
0x6a: {  	[tilespmem:s19], [sflag:$0x4] =	stream.indirect.gather [hbm4b:s3+s13], $0x40, s18, s13, $0xb8;
	[tilespmem:$0x18C00] =	vst v63  }
0x6b: {  	v24 =	vld [tilespmem:$0x180]  }
0x6c: {  	v25 =	vld [tilespmem:$0x190]  }
0x6d: {  	v26 =	vld [tilespmem:$0x1A0]  }
0x6e: {  	v28 =	vld [tilespmem:$0x1B0]  }
0x6f: {  	v30 =	vld [tilespmem:$0x1C0]  }
0x70: {  	v32 =	vld [tilespmem:$0x1D0]  }
0x71: {  	v34 =	vld [tilespmem:$0x1E0]  }
0x72: {  	v37 =	vld [tilespmem:$0x1F0]  }
0x73: {  	v27 =	vadd.s32 $0xFFFC2F70, v24;
	v0 =	vand.u32 $0x1FFF, v24;
	v29 =	vadd.s32 $0xFFFC2F70, v25  }
0x74: {  	v1 =	vand.u32 $0x1FFF, v25;
	v31 =	vadd.s32 $0xFFFC2F70, v26;
	v2 =	vand.u32 $0x1FFF, v26  }
0x75: {  	v33 =	vadd.s32 $0xFFFC2F70, v28;
	v35 =	vand.u32 $0x1FFF, v28;
	v36 =	vadd.s32 $0xFFFC2F70, v30  }
0x76: {  	v6 =	vand.u32 $0x1FFF, v30;
	v41 =	vadd.s32 $0xFFFC2F70, v32;
	v42 =	vand.u32 $0x1FFF, v32  }
0x77: {  	v44 =	vadd.s32 $0xFFFC2F70, v34;
	v46 =	vand.u32 $0x1FFF, v34;
	v48 =	vadd.s32 $0xFFFC2F70, v37  }
0x78: {  	v49 =	vand.u32 $0x1FFF, v37;
	vm12 =	vlt.u32 v27, $0x3D090;
	v0 =	vadd.s32 $0x3D090, v0  }
0x79: {  	vm13 =	vlt.u32 v29, $0x3D090;
	v1 =	vadd.s32 $0x3D090, v1;
	v0 =	vsel vm12, v27, v0  }
0x7a: {  	vm14 =	vlt.u32 v31, $0x3D090;
	v2 =	vadd.s32 $0x3D090, v2;
	v1 =	vsel vm13, v29, v1;
	[tilespmem:$0x780] =	vst v0  }
0x7b: {  	vm15 =	vlt.u32 v33, $0x3D090;
	v3 =	vadd.s32 $0x3D090, v35;
	v2 =	vsel vm14, v31, v2;
	[tilespmem:$0x790] =	vst v1  }
0x7c: {  	vm4 =	vlt.u32 v36, $0x3D090;
	v39 =	vadd.s32 $0x3D090, v6;
	v38 =	vsel vm15, v33, v3;
	[tilespmem:$0x7A0] =	vst v2  }
0x7d: {  	vm5 =	vlt.u32 v41, $0x3D090;
	v43 =	vadd.s32 $0x3D090, v42;
	v40 =	vsel vm4, v36, v39;
	[tilespmem:$0x7B0] =	vst v38  }
0x7e: {  	vm6 =	vlt.u32 v44, $0x3D090;
	v47 =	vadd.s32 $0x3D090, v46;
	v45 =	vsel vm5, v41, v43;
	[tilespmem:$0x7C0] =	vst v40  }
0x7f: {  	vm7 =	vlt.u32 v48, $0x3D090;
	v51 =	vadd.s32 $0x3D090, v49;
	v50 =	vsel vm6, v44, v47;
	[tilespmem:$0x7D0] =	vst v45  }
0x80: {  	v52 =	vsel vm7, v48, v51;
	[tilespmem:$0x7E0] =	vst v50  }
0x81: {  	s20 =	simm.s32 $0x780;
	s21 =	simm.s32 $0x6C00;
	[tilespmem:$0x7F0] =	vst v52  }
0x82: {  	[tilespmem:s21], [sflag:$0x4] =	stream.indirect.gather [hbm4b:s3+s13], $0x40, s20, s13, $0xb8;
	[tilespmem:$0x18C00] =	vst v63  }
0x83: {  	_ =	swait.ge [sflag:s22], $0x200  }
0x84: {  	[sflag:s22] =	ssyncset.done $0x0  }
0x85: {  	[sflag:s22] =	ssyncadd.s32 $0xFFFFFE00  }
0x86: {  	v53 =	vld [tilespmem:$0x200]  }
0x87: {  	v54 =	vld [tilespmem:$0x210]  }
0x88: {  	v55 =	vld [tilespmem:$0x220]  }
0x89: {  	v57 =	vld [tilespmem:$0x230]  }
0x8a: {  	v59 =	vld [tilespmem:$0x240]  }
0x8b: {  	v61 =	vld [tilespmem:$0x250]  }
0x8c: {  	v63 =	vld [tilespmem:$0x260]  }
0x8d: {  	v14 =	vld [tilespmem:$0x270]  }
0x8e: {  	v56 =	vadd.s32 $0xFFFC2F70, v53;
	v0 =	vand.u32 $0x1FFF, v53;
	v58 =	vadd.s32 $0xFFFC2F70, v54  }
0x8f: {  	v1 =	vand.u32 $0x1FFF, v54;
	v60 =	vadd.s32 $0xFFFC2F70, v55;
	v2 =	vand.u32 $0x1FFF, v55  }
0x90: {  	v62 =	vadd.s32 $0xFFFC2F70, v57;
	v12 =	vand.u32 $0x1FFF, v57;
	v13 =	vadd.s32 $0xFFFC2F70, v59  }
0x91: {  	v6 =	vand.u32 $0x1FFF, v59;
	v18 =	vadd.s32 $0xFFFC2F70, v61;
	v19 =	vand.u32 $0x1FFF, v61  }
0x92: {  	v21 =	vadd.s32 $0xFFFC2F70, v63;
	v23 =	vand.u32 $0x1FFF, v63;
	v25 =	vadd.s32 $0xFFFC2F70, v14  }
0x93: {  	v26 =	vand.u32 $0x1FFF, v14;
	vm8 =	vlt.u32 v56, $0x3D090;
	v0 =	vadd.s32 $0x3D090, v0  }
0x94: {  	vm9 =	vlt.u32 v58, $0x3D090;
	v1 =	vadd.s32 $0x3D090, v1;
	v0 =	vsel vm8, v56, v0  }
0x95: {  	vm10 =	vlt.u32 v60, $0x3D090;
	v2 =	vadd.s32 $0x3D090, v2;
	v1 =	vsel vm9, v58, v1;
	[tilespmem:$0x800] =	vst v0  }
0x96: {  	vm11 =	vlt.u32 v62, $0x3D090;
	v3 =	vadd.s32 $0x3D090, v12;
	v2 =	vsel vm10, v60, v2;
	[tilespmem:$0x810] =	vst v1  }
0x97: {  	vm12 =	vlt.u32 v13, $0x3D090;
	v16 =	vadd.s32 $0x3D090, v6;
	v15 =	vsel vm11, v62, v3;
	[tilespmem:$0x820] =	vst v2  }
0x98: {  	vm13 =	vlt.u32 v18, $0x3D090;
	v20 =	vadd.s32 $0x3D090, v19;
	v17 =	vsel vm12, v13, v16;
	[tilespmem:$0x830] =	vst v15  }
0x99: {  	vm14 =	vlt.u32 v21, $0x3D090;
	v24 =	vadd.s32 $0x3D090, v23;
	v22 =	vsel vm13, v18, v20;
	[tilespmem:$0x840] =	vst v17  }
0x9a: {  	vm15 =	vlt.u32 v25, $0x3D090;
	v28 =	vadd.s32 $0x3D090, v26;
	v27 =	vsel vm14, v21, v24;
	[tilespmem:$0x850] =	vst v22  }
0x9b: {  	v29 =	vsel vm15, v25, v28;
	[tilespmem:$0x860] =	vst v27  }
0x9c: {  	[tilespmem:$0x870] =	vst v29  }
0x9d: {  	[tilespmem:s24], [sflag:$0x5] =	stream.indirect.gather [hbm4b:s3+s13], $0x40, s23, s13, $0xb8;
	[tilespmem:$0x18C00] =	vst v63  }
0x9e: {  	v30 =	vld [tilespmem:$0x280]  }
0x9f: {  	v31 =	vld [tilespmem:$0x290]  }
0xa0: {  	v32 =	vld [tilespmem:$0x2A0]  }
0xa1: {  	v34 =	vld [tilespmem:$0x2B0]  }
0xa2: {  	v36 =	vld [tilespmem:$0x2C0]  }
0xa3: {  	v38 =	vld [tilespmem:$0x2D0]  }
0xa4: {  	v40 =	vld [tilespmem:$0x2E0]  }
0xa5: {  	v43 =	vld [tilespmem:$0x2F0]  }
0xa6: {  	v33 =	vadd.s32 $0xFFFC2F70, v30;
	v0 =	vand.u32 $0x1FFF, v30;
	v35 =	vadd.s32 $0xFFFC2F70, v31  }
0xa7: {  	v1 =	vand.u32 $0x1FFF, v31;
	v37 =	vadd.s32 $0xFFFC2F70, v32;
	v2 =	vand.u32 $0x1FFF, v32  }
0xa8: {  	v39 =	vadd.s32 $0xFFFC2F70, v34;
	v41 =	vand.u32 $0x1FFF, v34;
	v42 =	vadd.s32 $0xFFFC2F70, v36  }
0xa9: {  	v6 =	vand.u32 $0x1FFF, v36;
	v47 =	vadd.s32 $0xFFFC2F70, v38;
	v48 =	vand.u32 $0x1FFF, v38  }
0xaa: {  	v50 =	vadd.s32 $0xFFFC2F70, v40;
	v52 =	vand.u32 $0x1FFF, v40;
	v54 =	vadd.s32 $0xFFFC2F70, v43  }
0xab: {  	v55 =	vand.u32 $0x1FFF, v43;
	vm4 =	vlt.u32 v33, $0x3D090;
	v0 =	vadd.s32 $0x3D090, v0  }
0xac: {  	vm5 =	vlt.u32 v35, $0x3D090;
	v1 =	vadd.s32 $0x3D090, v1;
	v0 =	vsel vm4, v33, v0  }
0xad: {  	vm6 =	vlt.u32 v37, $0x3D090;
	v2 =	vadd.s32 $0x3D090, v2;
	v1 =	vsel vm5, v35, v1;
	[tilespmem:$0x880] =	vst v0  }
0xae: {  	vm7 =	vlt.u32 v39, $0x3D090;
	v3 =	vadd.s32 $0x3D090, v41;
	v2 =	vsel vm6, v37, v2;
	[tilespmem:$0x890] =	vst v1  }
0xaf: {  	vm8 =	vlt.u32 v42, $0x3D090;
	v45 =	vadd.s32 $0x3D090, v6;
	v44 =	vsel vm7, v39, v3;
	[tilespmem:$0x8A0] =	vst v2  }
0xb0: {  	vm9 =	vlt.u32 v47, $0x3D090;
	v49 =	vadd.s32 $0x3D090, v48;
	v46 =	vsel vm8, v42, v45;
	[tilespmem:$0x8B0] =	vst v44  }
0xb1: {  	vm10 =	vlt.u32 v50, $0x3D090;
	v53 =	vadd.s32 $0x3D090, v52;
	v51 =	vsel vm9, v47, v49;
	[tilespmem:$0x8C0] =	vst v46  }
0xb2: {  	vm11 =	vlt.u32 v54, $0x3D090;
	v57 =	vadd.s32 $0x3D090, v55;
	v56 =	vsel vm10, v50, v53;
	[tilespmem:$0x8D0] =	vst v51  }
0xb3: {  	v58 =	vsel vm11, v54, v57;
	[tilespmem:$0x8E0] =	vst v56  }
0xb4: {  	[tilespmem:$0x8F0] =	vst v58  }
0xb5: {  	[tilespmem:s26], [sflag:$0x5] =	stream.indirect.gather [hbm4b:s3+s13], $0x40, s25, s13, $0xb8;
	[tilespmem:$0x18C00] =	vst v63  }
0xb6: {  	v59 =	vld [tilespmem:$0x300]  }
0xb7: {  	v60 =	vld [tilespmem:$0x310]  }
0xb8: {  	v61 =	vld [tilespmem:$0x320]  }
0xb9: {  	v63 =	vld [tilespmem:$0x330]  }
0xba: {  	v12 =	vld [tilespmem:$0x340]  }
0xbb: {  	v14 =	vld [tilespmem:$0x350]  }
0xbc: {  	v16 =	vld [tilespmem:$0x360]  }
0xbd: {  	v19 =	vld [tilespmem:$0x370]  }
0xbe: {  	v62 =	vadd.s32 $0xFFFC2F70, v59;
	v0 =	vand.u32 $0x1FFF, v59;
	v11 =	vadd.s32 $0xFFFC2F70, v60  }
0xbf: {  	v1 =	vand.u32 $0x1FFF, v60;
	v13 =	vadd.s32 $0xFFFC2F70, v61;
	v2 =	vand.u32 $0x1FFF, v61  }
0xc0: {  	v15 =	vadd.s32 $0xFFFC2F70, v63;
	v17 =	vand.u32 $0x1FFF, v63;
	v18 =	vadd.s32 $0xFFFC2F70, v12  }
0xc1: {  	v6 =	vand.u32 $0x1FFF, v12;
	v23 =	vadd.s32 $0xFFFC2F70, v14;
	v24 =	vand.u32 $0x1FFF, v14  }
0xc2: {  	v26 =	vadd.s32 $0xFFFC2F70, v16;
	v28 =	vand.u32 $0x1FFF, v16;
	v30 =	vadd.s32 $0xFFFC2F70, v19  }
0xc3: {  	v31 =	vand.u32 $0x1FFF, v19;
	vm12 =	vlt.u32 v62, $0x3D090;
	v0 =	vadd.s32 $0x3D090, v0  }
0xc4: {  	vm13 =	vlt.u32 v11, $0x3D090;
	v1 =	vadd.s32 $0x3D090, v1;
	v0 =	vsel vm12, v62, v0  }
0xc5: {  	vm14 =	vlt.u32 v13, $0x3D090;
	v2 =	vadd.s32 $0x3D090, v2;
	v1 =	vsel vm13, v11, v1;
	[tilespmem:$0x900] =	vst v0  }
0xc6: {  	vm15 =	vlt.u32 v15, $0x3D090;
	v3 =	vadd.s32 $0x3D090, v17;
	v2 =	vsel vm14, v13, v2;
	[tilespmem:$0x910] =	vst v1  }
0xc7: {  	vm4 =	vlt.u32 v18, $0x3D090;
	v21 =	vadd.s32 $0x3D090, v6;
	v20 =	vsel vm15, v15, v3;
	[tilespmem:$0x920] =	vst v2  }
0xc8: {  	vm5 =	vlt.u32 v23, $0x3D090;
	v25 =	vadd.s32 $0x3D090, v24;
	v22 =	vsel vm4, v18, v21;
	[tilespmem:$0x930] =	vst v20  }
0xc9: {  	vm6 =	vlt.u32 v26, $0x3D090;
	v29 =	vadd.s32 $0x3D090, v28;
	v27 =	vsel vm5, v23, v25;
	[tilespmem:$0x940] =	vst v22  }
0xca: {  	vm7 =	vlt.u32 v30, $0x3D090;
	v33 =	vadd.s32 $0x3D090, v31;
	v32 =	vsel vm6, v26, v29;
	[tilespmem:$0x950] =	vst v27  }
0xcb: {  	v34 =	vsel vm7, v30, v33;
	[tilespmem:$0x960] =	vst v32  }
0xcc: {  	[tilespmem:$0x970] =	vst v34  }
0xcd: {  	[tilespmem:s29], [sflag:$0x5] =	stream.indirect.gather [hbm4b:s3+s13], $0x40, s28, s13, $0xb8;
	[tilespmem:$0x18C00] =	vst v63  }
0xce: {  	v35 =	vld [tilespmem:$0x380]  }
0xcf: {  	v36 =	vld [tilespmem:$0x390]  }
0xd0: {  	v37 =	vld [tilespmem:$0x3A0]  }
0xd1: {  	v39 =	vld [tilespmem:$0x3B0]  }
0xd2: {  	v41 =	vld [tilespmem:$0x3C0]  }
0xd3: {  	v43 =	vld [tilespmem:$0x3D0]  }
0xd4: {  	v45 =	vld [tilespmem:$0x3E0]  }
0xd5: {  	v48 =	vld [tilespmem:$0x3F0]  }
0xd6: {  	v38 =	vadd.s32 $0xFFFC2F70, v35;
	v0 =	vand.u32 $0x1FFF, v35;
	v40 =	vadd.s32 $0xFFFC2F70, v36  }
0xd7: {  	v1 =	vand.u32 $0x1FFF, v36;
	v42 =	vadd.s32 $0xFFFC2F70, v37;
	v2 =	vand.u32 $0x1FFF, v37  }
0xd8: {  	v44 =	vadd.s32 $0xFFFC2F70, v39;
	v46 =	vand.u32 $0x1FFF, v39;
	v47 =	vadd.s32 $0xFFFC2F70, v41  }
0xd9: {  	v6 =	vand.u32 $0x1FFF, v41;
	v52 =	vadd.s32 $0xFFFC2F70, v43;
	v53 =	vand.u32 $0x1FFF, v43  }
0xda: {  	v55 =	vadd.s32 $0xFFFC2F70, v45;
	v57 =	vand.u32 $0x1FFF, v45;
	v59 =	vadd.s32 $0xFFFC2F70, v48  }
0xdb: {  	v60 =	vand.u32 $0x1FFF, v48;
	vm8 =	vlt.u32 v38, $0x3D090;
	v0 =	vadd.s32 $0x3D090, v0  }
0xdc: {  	vm9 =	vlt.u32 v40, $0x3D090;
	v1 =	vadd.s32 $0x3D090, v1;
	v0 =	vsel vm8, v38, v0  }
0xdd: {  	vm10 =	vlt.u32 v42, $0x3D090;
	v2 =	vadd.s32 $0x3D090, v2;
	v1 =	vsel vm9, v40, v1;
	[tilespmem:$0x980] =	vst v0  }
0xde: {  	vm11 =	vlt.u32 v44, $0x3D090;
	v3 =	vadd.s32 $0x3D090, v46;
	v2 =	vsel vm10, v42, v2;
	[tilespmem:$0x990] =	vst v1  }
0xdf: {  	vm12 =	vlt.u32 v47, $0x3D090;
	v50 =	vadd.s32 $0x3D090, v6;
	v49 =	vsel vm11, v44, v3;
	[tilespmem:$0x9A0] =	vst v2  }
0xe0: {  	vm13 =	vlt.u32 v52, $0x3D090;
	v54 =	vadd.s32 $0x3D090, v53;
	v51 =	vsel vm12, v47, v50;
	[tilespmem:$0x9B0] =	vst v49  }
.Ltmp2:
0xe1: {  	vm14 =	vlt.u32 v55, $0x3D090;
	v58 =	vadd.s32 $0x3D090, v57;
	v56 =	vsel vm13, v52, v54;
	[tilespmem:$0x9C0] =	vst v51;
	(pc) =	sbr.rel .LBB2_2-.Ltmp2, $4  }
0xe2: {  	vm15 =	vlt.u32 v59, $0x3D090;
	v62 =	vadd.s32 $0x3D090, v60;
	v61 =	vsel vm14, v55, v58;
	[tilespmem:$0x9D0] =	vst v56  }
0xe3: {  	v63 =	vsel vm15, v59, v62;
	[tilespmem:$0x9E0] =	vst v61  }
0xe4: {  	s8 =	smov.u32 s16;
	s9 =	smov.u32 s15;
	s14 =	simm.s32 $0x3;
	[tilespmem:$0x9F0] =	vst v63  }
0xe5: {  	[tilespmem:s31], [sflag:$0x5] =	stream.indirect.gather [hbm4b:s3+s13], $0x40, s30, s13, $0xb8;
	[tilespmem:$0x18C00] =	vst v63  }
.LBB2_4:
0xe6: {  	s14 =	sadd.s32 $0x1, s14  }
0xe7: {  	p0 =	sne.s32 s14, $0x35  }
.Ltmp3:
0xe8: {  	_ = 	snop;
	(pc) =	sbr.rel @!p0 .LBB2_5-.Ltmp3, $2  }
0xe9: {  	_ =	sdelay $0x2  }
0xea: {  	s8 =	sadd.s32 $0x40, s8;
	s9 =	sadd.s32 $0x1000, s9  }
.LBB2_2:
0xeb: {  	s17 =	sadd.s32 $0xFFFFFFFD, s14  }
0xec: {  	s18 =	smul.u32 $0xAB, s17;
	_ =	sdelay $0x1  }
0xed: {  	s18 =	sshrl.u32 s18, $0x9  }
0xee: {  	s18 =	sand.u32 $0x7F, s18  }
0xef: {  	s18 =	smul.u32 $0x3, s18;
	_ =	sdelay $0x1  }
0xf0: {  	s18 =	ssub.s32 s17, s18  }
0xf1: {  	s18 =	sand.u32 $0xFF, s18  }
0xf2: {  	s19 =	sor.u32 $0x4, s18  }
0xf3: {  	_ =	swait.ge [sflag:s19], $0x2000  }
0xf4: {  	[sflag:s19] =	ssyncset.done $0x0  }
0xf5: {  	[sflag:s19] =	ssyncadd.s32 $0xFFFFE000  }
0xf6: {  	_ =	swait.ge [sflag:s19], $0x2000  }
0xf7: {  	[sflag:s19] =	ssyncset.done $0x0  }
0xf8: {  	[sflag:s19] =	ssyncadd.s32 $0xFFFFE000  }
0xf9: {  	_ =	swait.ge [sflag:s19], $0x2000  }
0xfa: {  	p0 =	sgt.u32 s17, $0x2F;
	[sflag:s19] =	ssyncset.done $0x0  }
.Ltmp4:
0xfb: {  	[sflag:s19] =	ssyncadd.s32 $0xFFFFE000;
	(pc) =	sbr.rel @p0 .LBB2_4-.Ltmp4, $4  }
0xfc: {  	_ =	swait.ge [sflag:s19], $0x2000  }
0xfd: {  	s20 =	sshll.u32 s18, $0xF;
	[sflag:s19] =	ssyncset.done $0x0  }
0xfe: {  	s18 =	sadd.s32 $0x7, s18;
	s21 =	sor.u32 $0xC00, s20;
	[sflag:s19] =	ssyncadd.s32 $0xFFFFE000  }
0xff: {  	[hbm4b:s9+s2] =	stream.linear.scatter [tilespmem:s21], [sflag:s18], $0x8000, $0x38;
	[tilespmem:$0x18C00] =	vst v63  }
0x100: {  	s17 =	sadd.s32 $0xFFFFFFFF, s14  }
0x101: {  	s18 =	sand.u32 $0xFF, s17  }
0x102: {  	s18 =	smul.u32 $0xAB, s18;
	_ =	sdelay $0x1  }
0x103: {  	s18 =	sshrl.u32 s18, $0x9  }
0x104: {  	s18 =	smul.u32 $0x3, s18;
	_ =	sdelay $0x1  }
0x105: {  	s17 =	ssub.s32 s17, s18  }
0x106: {  	p0 =	seq.s32 s14, $0x3;
	s19 =	sand.u32 $0xFF, s17  }
0x107: {  	s17 =	sadd.s32 @!p0 $0x7, s19  }
0x108: {  	_ =	swait.ge @!p0 [sflag:s17], $0x8000  }
0x109: {  	[sflag:s17] =	ssyncset.done @!p0 $0x0  }
0x10a: {  	s21 =	sadd.s32 $0x1, s19;
	[sflag:s17] =	ssyncadd.s32 @!p0 $0xFFFF8000  }
0x10b: {  	_ =	swait.ge [sflag:s21], $0x200  }
0x10c: {  	[sflag:s21] =	ssyncset.done $0x0  }
0x10d: {  	s17 =	sshll.u32 s19, $0x9;
	[sflag:s21] =	ssyncadd.s32 $0xFFFFFE00  }
0x10e: {  	v0 =	vld [tilespmem:s17+$0x0]  }
0x10f: {  	v1 =	vld [tilespmem:s17+$0x10]  }
0x110: {  	v2 =	vld [tilespmem:s17+$0x20]  }
0x111: {  	v4 =	vld [tilespmem:s17+$0x30]  }
0x112: {  	v6 =	vld [tilespmem:s17+$0x40]  }
0x113: {  	v12 =	vld [tilespmem:s17+$0x50]  }
0x114: {  	v8 =	vld [tilespmem:s17+$0x60]  }
0x115: {  	v9 =	vld [tilespmem:s17+$0x70]  }
0x116: {  	v3 =	vadd.s32 $0xFFFC2F70, v0;
	v0 =	vand.u32 $0x1FFF, v0;
	v5 =	vadd.s32 $0xFFFC2F70, v1  }
0x117: {  	v1 =	vand.u32 $0x1FFF, v1;
	v63 =	vadd.s32 $0xFFFC2F70, v2;
	v2 =	vand.u32 $0x1FFF, v2  }
0x118: {  	v7 =	vadd.s32 $0xFFFC2F70, v4;
	v13 =	vand.u32 $0x1FFF, v4;
	v14 =	vadd.s32 $0xFFFC2F70, v6  }
0x119: {  	v6 =	vand.u32 $0x1FFF, v6;
	v18 =	vadd.s32 $0xFFFC2F70, v12;
	v19 =	vand.u32 $0x1FFF, v12  }
0x11a: {  	v21 =	vadd.s32 $0xFFFC2F70, v8;
	v23 =	vand.u32 $0x1FFF, v8;
	v25 =	vadd.s32 $0xFFFC2F70, v9  }
0x11b: {  	v26 =	vand.u32 $0x1FFF, v9;
	vm0 =	vlt.u32 v3, $0x3D090;
	v0 =	vadd.s32 $0x3D090, v0  }
0x11c: {  	vm9 =	vlt.u32 v5, $0x3D090;
	v1 =	vadd.s32 $0x3D090, v1;
	v0 =	vsel vm0, v3, v0  }
0x11d: {  	vm10 =	vlt.u32 v63, $0x3D090;
	v2 =	vadd.s32 $0x3D090, v2;
	v1 =	vsel vm9, v5, v1;
	[tilespmem:s17+$0x600] =	vst v0  }
0x11e: {  	vm12 =	vlt.u32 v14, $0x3D090;
	v16 =	vadd.s32 $0x3D090, v6;
	v2 =	vsel vm10, v63, v2;
	[tilespmem:s17+$0x610] =	vst v1  }
0x11f: {  	vm13 =	vlt.u32 v18, $0x3D090;
	v20 =	vadd.s32 $0x3D090, v19;
	v17 =	vsel vm12, v14, v16;
	[tilespmem:s17+$0x620] =	vst v2  }
0x120: {  	vm14 =	vlt.u32 v21, $0x3D090;
	v24 =	vadd.s32 $0x3D090, v23;
	v22 =	vsel vm13, v18, v20;
	[tilespmem:s17+$0x640] =	vst v17  }
0x121: {  	vm15 =	vlt.u32 v25, $0x3D090;
	v28 =	vadd.s32 $0x3D090, v26;
	v27 =	vsel vm14, v21, v24;
	[tilespmem:s17+$0x650] =	vst v22  }
0x122: {  	vm11 =	vlt.u32 v7, $0x3D090;
	v3 =	vadd.s32 $0x3D090, v13;
	v29 =	vsel vm15, v25, v28;
	[tilespmem:s17+$0x660] =	vst v27  }
0x123: {  	s18 =	sshll.u32 s19, $0xF;
	v15 =	vsel vm11, v7, v3;
	[tilespmem:s17+$0x670] =	vst v29  }
0x124: {  	s19 =	sadd.s32 $0x4, s19;
	s20 =	sadd.s32 $0x600, s17;
	s21 =	sor.u32 $0xC00, s18;
	[tilespmem:s17+$0x630] =	vst v15  }
0x125: {  	[tilespmem:s21], [sflag:s19] =	stream.indirect.gather [hbm4b:s3+s13], $0x40, s20, s13, $0xb8;
	[tilespmem:$0x18C00] =	vst v63  }
0x126: {  	v30 =	vld [tilespmem:s17+$0x80]  }
0x127: {  	v31 =	vld [tilespmem:s17+$0x90]  }
0x128: {  	v32 =	vld [tilespmem:s17+$0xA0]  }
0x129: {  	v34 =	vld [tilespmem:s17+$0xB0]  }
0x12a: {  	v36 =	vld [tilespmem:s17+$0xC0]  }
0x12b: {  	v38 =	vld [tilespmem:s17+$0xD0]  }
0x12c: {  	v40 =	vld [tilespmem:s17+$0xE0]  }
0x12d: {  	v43 =	vld [tilespmem:s17+$0xF0]  }
0x12e: {  	v33 =	vadd.s32 $0xFFFC2F70, v30;
	v0 =	vand.u32 $0x1FFF, v30;
	v35 =	vadd.s32 $0xFFFC2F70, v31  }
0x12f: {  	v1 =	vand.u32 $0x1FFF, v31;
	v37 =	vadd.s32 $0xFFFC2F70, v32;
	v2 =	vand.u32 $0x1FFF, v32  }
0x130: {  	v39 =	vadd.s32 $0xFFFC2F70, v34;
	v41 =	vand.u32 $0x1FFF, v34;
	v42 =	vadd.s32 $0xFFFC2F70, v36  }
0x131: {  	v6 =	vand.u32 $0x1FFF, v36;
	v47 =	vadd.s32 $0xFFFC2F70, v38;
	v48 =	vand.u32 $0x1FFF, v38  }
0x132: {  	v50 =	vadd.s32 $0xFFFC2F70, v40;
	v52 =	vand.u32 $0x1FFF, v40;
	v54 =	vadd.s32 $0xFFFC2F70, v43  }
0x133: {  	v55 =	vand.u32 $0x1FFF, v43;
	vm4 =	vlt.u32 v33, $0x3D090;
	v0 =	vadd.s32 $0x3D090, v0  }
0x134: {  	vm5 =	vlt.u32 v35, $0x3D090;
	v1 =	vadd.s32 $0x3D090, v1;
	v0 =	vsel vm4, v33, v0  }
0x135: {  	vm6 =	vlt.u32 v37, $0x3D090;
	v2 =	vadd.s32 $0x3D090, v2;
	v1 =	vsel vm5, v35, v1;
	[tilespmem:s17+$0x680] =	vst v0  }
0x136: {  	vm7 =	vlt.u32 v39, $0x3D090;
	v3 =	vadd.s32 $0x3D090, v41;
	v2 =	vsel vm6, v37, v2;
	[tilespmem:s17+$0x690] =	vst v1  }
0x137: {  	vm8 =	vlt.u32 v42, $0x3D090;
	v45 =	vadd.s32 $0x3D090, v6;
	v44 =	vsel vm7, v39, v3;
	[tilespmem:s17+$0x6A0] =	vst v2  }
0x138: {  	vm9 =	vlt.u32 v47, $0x3D090;
	v49 =	vadd.s32 $0x3D090, v48;
	v46 =	vsel vm8, v42, v45;
	[tilespmem:s17+$0x6B0] =	vst v44  }
0x139: {  	vm10 =	vlt.u32 v50, $0x3D090;
	v53 =	vadd.s32 $0x3D090, v52;
	v51 =	vsel vm9, v47, v49;
	[tilespmem:s17+$0x6C0] =	vst v46  }
0x13a: {  	vm11 =	vlt.u32 v54, $0x3D090;
	v57 =	vadd.s32 $0x3D090, v55;
	v56 =	vsel vm10, v50, v53;
	[tilespmem:s17+$0x6D0] =	vst v51  }
0x13b: {  	v58 =	vsel vm11, v54, v57;
	[tilespmem:s17+$0x6E0] =	vst v56  }
0x13c: {  	s20 =	sadd.s32 $0x680, s17;
	s21 =	sor.u32 $0x2C00, s18;
	[tilespmem:s17+$0x6F0] =	vst v58  }
0x13d: {  	[tilespmem:s21], [sflag:s19] =	stream.indirect.gather [hbm4b:s3+s13], $0x40, s20, s13, $0xb8;
	[tilespmem:$0x18C00] =	vst v63  }
0x13e: {  	v59 =	vld [tilespmem:s17+$0x100]  }
0x13f: {  	v60 =	vld [tilespmem:s17+$0x110]  }
0x140: {  	v61 =	vld [tilespmem:s17+$0x120]  }
0x141: {  	v63 =	vld [tilespmem:s17+$0x130]  }
0x142: {  	v12 =	vld [tilespmem:s17+$0x140]  }
0x143: {  	v14 =	vld [tilespmem:s17+$0x150]  }
0x144: {  	v16 =	vld [tilespmem:s17+$0x160]  }
0x145: {  	v19 =	vld [tilespmem:s17+$0x170]  }
0x146: {  	v62 =	vadd.s32 $0xFFFC2F70, v59;
	v0 =	vand.u32 $0x1FFF, v59;
	v11 =	vadd.s32 $0xFFFC2F70, v60  }
0x147: {  	v1 =	vand.u32 $0x1FFF, v60;
	v13 =	vadd.s32 $0xFFFC2F70, v61;
	v2 =	vand.u32 $0x1FFF, v61  }
0x148: {  	v15 =	vadd.s32 $0xFFFC2F70, v63;
	v17 =	vand.u32 $0x1FFF, v63;
	v18 =	vadd.s32 $0xFFFC2F70, v12  }
0x149: {  	v6 =	vand.u32 $0x1FFF, v12;
	v23 =	vadd.s32 $0xFFFC2F70, v14;
	v24 =	vand.u32 $0x1FFF, v14  }
0x14a: {  	v26 =	vadd.s32 $0xFFFC2F70, v16;
	v28 =	vand.u32 $0x1FFF, v16;
	v30 =	vadd.s32 $0xFFFC2F70, v19  }
0x14b: {  	v31 =	vand.u32 $0x1FFF, v19;
	vm12 =	vlt.u32 v62, $0x3D090;
	v0 =	vadd.s32 $0x3D090, v0  }
0x14c: {  	vm13 =	vlt.u32 v11, $0x3D090;
	v1 =	vadd.s32 $0x3D090, v1;
	v0 =	vsel vm12, v62, v0  }
0x14d: {  	vm14 =	vlt.u32 v13, $0x3D090;
	v2 =	vadd.s32 $0x3D090, v2;
	v1 =	vsel vm13, v11, v1;
	[tilespmem:s17+$0x700] =	vst v0  }
0x14e: {  	vm15 =	vlt.u32 v15, $0x3D090;
	v3 =	vadd.s32 $0x3D090, v17;
	v2 =	vsel vm14, v13, v2;
	[tilespmem:s17+$0x710] =	vst v1  }
0x14f: {  	vm4 =	vlt.u32 v18, $0x3D090;
	v21 =	vadd.s32 $0x3D090, v6;
	v20 =	vsel vm15, v15, v3;
	[tilespmem:s17+$0x720] =	vst v2  }
0x150: {  	vm5 =	vlt.u32 v23, $0x3D090;
	v25 =	vadd.s32 $0x3D090, v24;
	v22 =	vsel vm4, v18, v21;
	[tilespmem:s17+$0x730] =	vst v20  }
0x151: {  	vm6 =	vlt.u32 v26, $0x3D090;
	v29 =	vadd.s32 $0x3D090, v28;
	v27 =	vsel vm5, v23, v25;
	[tilespmem:s17+$0x740] =	vst v22  }
0x152: {  	vm7 =	vlt.u32 v30, $0x3D090;
	v33 =	vadd.s32 $0x3D090, v31;
	v32 =	vsel vm6, v26, v29;
	[tilespmem:s17+$0x750] =	vst v27  }
0x153: {  	v34 =	vsel vm7, v30, v33;
	[tilespmem:s17+$0x760] =	vst v32  }
0x154: {  	s20 =	sadd.s32 $0x700, s17;
	s21 =	sor.u32 $0x4C00, s18;
	[tilespmem:s17+$0x770] =	vst v34  }
0x155: {  	[tilespmem:s21], [sflag:s19] =	stream.indirect.gather [hbm4b:s3+s13], $0x40, s20, s13, $0xb8;
	[tilespmem:$0x18C00] =	vst v63  }
0x156: {  	v35 =	vld [tilespmem:s17+$0x180]  }
0x157: {  	v36 =	vld [tilespmem:s17+$0x190]  }
0x158: {  	v37 =	vld [tilespmem:s17+$0x1A0]  }
0x159: {  	v39 =	vld [tilespmem:s17+$0x1B0]  }
0x15a: {  	v41 =	vld [tilespmem:s17+$0x1C0]  }
0x15b: {  	v43 =	vld [tilespmem:s17+$0x1D0]  }
0x15c: {  	v45 =	vld [tilespmem:s17+$0x1E0]  }
0x15d: {  	v48 =	vld [tilespmem:s17+$0x1F0]  }
0x15e: {  	v38 =	vadd.s32 $0xFFFC2F70, v35;
	v0 =	vand.u32 $0x1FFF, v35;
	v40 =	vadd.s32 $0xFFFC2F70, v36  }
0x15f: {  	v1 =	vand.u32 $0x1FFF, v36;
	v42 =	vadd.s32 $0xFFFC2F70, v37;
	v2 =	vand.u32 $0x1FFF, v37  }
0x160: {  	v44 =	vadd.s32 $0xFFFC2F70, v39;
	v46 =	vand.u32 $0x1FFF, v39;
	v47 =	vadd.s32 $0xFFFC2F70, v41  }
0x161: {  	v6 =	vand.u32 $0x1FFF, v41;
	v52 =	vadd.s32 $0xFFFC2F70, v43;
	v53 =	vand.u32 $0x1FFF, v43  }
0x162: {  	v55 =	vadd.s32 $0xFFFC2F70, v45;
	v57 =	vand.u32 $0x1FFF, v45;
	v59 =	vadd.s32 $0xFFFC2F70, v48  }
0x163: {  	v60 =	vand.u32 $0x1FFF, v48;
	vm8 =	vlt.u32 v38, $0x3D090;
	v0 =	vadd.s32 $0x3D090, v0  }
0x164: {  	vm9 =	vlt.u32 v40, $0x3D090;
	v1 =	vadd.s32 $0x3D090, v1;
	v0 =	vsel vm8, v38, v0  }
0x165: {  	vm10 =	vlt.u32 v42, $0x3D090;
	v2 =	vadd.s32 $0x3D090, v2;
	v1 =	vsel vm9, v40, v1;
	[tilespmem:s17+$0x780] =	vst v0  }
0x166: {  	vm11 =	vlt.u32 v44, $0x3D090;
	v3 =	vadd.s32 $0x3D090, v46;
	v2 =	vsel vm10, v42, v2;
	[tilespmem:s17+$0x790] =	vst v1  }
0x167: {  	p0 =	seq.s32 s14, $0x32;
	vm12 =	vlt.u32 v47, $0x3D090;
	v50 =	vadd.s32 $0x3D090, v6;
	v49 =	vsel vm11, v44, v3;
	[tilespmem:s17+$0x7A0] =	vst v2  }
0x168: {  	s20 =	smul.u32 @!p0 $0xAB, s14;
	vm13 =	vlt.u32 v52, $0x3D090;
	v54 =	vadd.s32 $0x3D090, v53;
	v51 =	vsel vm12, v47, v50;
	[tilespmem:s17+$0x7B0] =	vst v49  }
0x169: {  	vm14 =	vlt.u32 v55, $0x3D090;
	v58 =	vadd.s32 $0x3D090, v57;
	v56 =	vsel vm13, v52, v54;
	[tilespmem:s17+$0x7C0] =	vst v51  }
0x16a: {  	s20 =	sshrl.u32 @!p0 s20, $0x9;
	vm15 =	vlt.u32 v59, $0x3D090;
	v62 =	vadd.s32 $0x3D090, v60;
	v61 =	vsel vm14, v55, v58;
	[tilespmem:s17+$0x7D0] =	vst v56  }
0x16b: {  	s20 =	sand.u32 @!p0 $0x7F, s20;
	v63 =	vsel vm15, v59, v62;
	[tilespmem:s17+$0x7E0] =	vst v61  }
0x16c: {  	s21 =	sadd.s32 $0x780, s17;
	[tilespmem:s17+$0x7F0] =	vst v63;
	s17 =	sor.u32 $0x6C00, s18;
	s18 =	smul.u32 @!p0 $0x3, s20  }
0x16d: {  	[tilespmem:s17], [sflag:s19] =	stream.indirect.gather [hbm4b:s3+s13], $0x40, s21, s13, $0xb8;
	[tilespmem:$0x18C00] =	vst v63  }
.Ltmp5:
0x16e: {  	_ = 	snop;
	(pc) =	sbr.rel .LBB2_4-.Ltmp5, $4  }
0x16f: {  	s17 =	ssub.s32 @!p0 s14, s18  }
0x170: {  	s17 =	sand.u32 @!p0 $0xFF, s17  }
0x171: {  	s19 =	simm.s32 @!p0 $0x0;
	s18 =	sshll.u32 @!p0 s17, $0x9;
	s17 =	sadd.s32 @!p0 $0x1, s17  }
0x172: {  	[tilespmem:s18], [sflag:s17] =	stream.linear.gather @!p0 [hbm4b:s8+s19], $0x200, $0x38;
	[tilespmem:$0x18C00] =	vst v63  }
.LBB2_6:
0x173: {  	_ =	sfence.sel $0x180000  }
0x174: {  	[bflag:$0x0] =	sbarrier.arrive $0xFFFF  }
0x175: {  	_ =	strace $0x90000047  }
0x176: {  	s0 =	stileid.u32;
	[bflag:$0x2] =	sbarrier.arrive $0xFFFF  }
0x177: {  	p0 =	sne.s32 s0, $0x0;
	s0 =	rddreg [dreg:$0x2]  }
0x178: {  	s0 =	sadd.s32 @!p0 $0x100000, s0  }
0x179: {  	[sflag:s0] =	ssyncadd.tile.s32 @!p0 $0x1;
	_ =	shalt  }
.Lfunc_end2:
_tile_overlayer_lowered:
.L_overlay_start_2:
0x17a: {  	(tag) =	ssettag $0x2  }
0x17b: {  	s0 =	rddreg [dreg:$0x0];
	s2 =	stileid.u32  }
0x17c: {  	s1 =	rddreg [dreg:$0x1];
	p0 =	sne.s32 s2, $0x0  }
0x17d: {  	s3 =	rddreg [dreg:$0x2];
	[bflag:$0x3] =	sbarrier.arrive $0xFFFF;
	s2 =	simm.s32 @!p0 $0x1C0A  }
0x17e: {  	[timem:s3], [sflag:s2] =	dma.local @!p0 [hbm:s0], s1  }
0x17f: {  	s0 =	simm.s32 @!p0 $0xA  }
0x180: {  	_ =	swait.ge @!p0 [sflag:s0], s1  }
0x181: {  	s1 =	ssub.s32 @!p0 $0x0, s1;
	[sflag:s0] =	ssyncset.done @!p0 $0x0  }
0x182: {  	[sflag:s0] =	ssyncadd.s32 @!p0 s1  }
0x183: {  	[bflag:$0x3] =	sbarrier.arrive $0xFFFF  }
0x184: {  	_ =	shalt  }

// kernel: sparse-core-data-format-call.cloned.1.call-start
scs
called_computation_lowered:
.L_overlay_start_0:
0x0: {  	s2 =	sld [smem:$0x3FD9]  }
0x1: {  	s3 =	sld [smem:$0x3FFE];
	_ =	sdelay $0x1  }
0x2: {  	s1 =	srdreg.scid  }
0x3: {  	s0 =	sand.u32 $0x1, s1  }
0x4: {  	s18 =	sshll.u32 s0, $0xA;
	s2 =	sadd.s32 s3, s2  }
0x5: {  	s2 =	sadd.s32 s2, s18  }
0x6: {  	[smem:$0x3FC6] =	sst s2  }
0x7: {  	_ = 	snop  }
0x8: {  	s2 =	sld [smem:$0x3FD0];
	(tm) =	ssettm $0x1  }
0x9: {  	s19 =	sld [smem:$0x3FFB];
	_ =	sdelay $0x3  }
0xa: {  	_ =	strace s19  }
0xb: {  	s3 =	sld [smem:$0x3FFC];
	_ =	sdelay $0x3  }
0xc: {  	_ =	strace s3  }
0xd: {  	s3 =	sld [smem:$0x3FFD];
	_ =	sdelay $0x3  }
0xe: {  	_ =	strace s3  }
0xf: {  	_ =	strace $0x8FFFFFFF  }
0x10: {  	s20 =	sld [smem:$0x3FDB];
	_ =	sdelay $0x1  }
0x11: {  	s4 =	simm.s32 $_scs_section_size  }
0x12: {  	s5 =	simm.s32 $_size__tile_overlayer_lowered;
	s6 =	simm.s32 $_tile_overlayer_lowered  }
0x13: {  	s23 =	simm.s32 $0x1BFF;
	s22 =	sshll.u32 s6, $0x1;
	s3 =	sadd.s32 s4, s20  }
0x14: {  	s7 =	simm.s32 $0x0;
	s21 =	sshll.u32 s5, $0x1;
	s5 =	sadd.s32 s22, s3  }
0x15: {  	[timem:s7], [sflag:s23] =	dma.local [hbm:s5], s21  }
0x16: {  	_ =	swait.ge [sflag:s23], s21  }
0x17: {  	s4 =	ssub.s32 $0x0, s21;
	[sflag:s23] =	ssyncset.done $0x0  }
0x18: {  	[sflag:s23] =	ssyncadd.s32 s4;
	_ =	sdelay $0x1  }
0x19: {  	s24 =	simm.s32 $0x1B8B  }
0x1a: {  	_ =	swait.ge [sflag:s24], $0x1  }
0x1b: {  	[sflag:s24] =	ssyncset.done $0x0  }
0x1c: {  	s26 =	simm.s32 $0x1B8E;
	s25 =	sld [smem:$0x3FFE];
	[sflag:s24] =	ssyncadd.s32 $0xFFFFFFFF  }
0x1d: {  	s27 =	simm.s32 $execute0_lowered;
	[smem:$0x3FD2] =	sst s26  }
0x1e: {  	s5 =	sshll.u32 s27, $0x1;
	_ =	strace $0x80000049;
	[dreg:$0x1] =	wrdreg $0xFFFFFFFF  }
0x1f: {  	s28 =	simm.s32 $_size_execute0_lowered;
	s3 =	sadd.s32 s3, s5;
	[dreg:$0x0] =	wrdreg $0x0  }
0x20: {  	s5 =	sshll.u32 s28, $0x1;
	[dreg:$0x2] =	wrdreg s3  }
0x21: {  	[dreg:$0x3] =	wrdreg s5  }
0x22: {  	[dreg:$0x4] =	wrdreg $0xC0  }
0x23: {  	_ =	task [dreg:s7], $0x5FFFF  }
0x24: {  	[dreg:$0x1] =	wrdreg $0xFFFFFFFF  }
0x25: {  	[dreg:$0x0] =	wrdreg $0x60  }
0x26: {  	[dreg:$0x2] =	wrdreg s25  }
0x27: {  	[dreg:$0x3] =	wrdreg s2  }
0x28: {  	[dreg:$0x4] =	wrdreg $0x9  }
0x29: {  	_ =	task.clear_ibuf [dreg:s7], $0x5FFFF;
	_ =	strace $0x90000049  }
0x2a: {  	s29 =	simm.s32 $0x9;
	_ =	strace $0x8000004B  }
0x2b: {  	_ =	swait.ge [sflag:s29], $0x1  }
0x2c: {  	[sflag:s29] =	ssyncadd.s32 $0xFFFFFFFF  }
0x2d: {  	_ =	strace $0x9000004B  }
0x2e: {  	_ =	sfence  }
0x2f: {  	s30 =	sld [smem:$0x0];
	_ =	sdelay $0x2  }
0x30: {  	s31 =	sshll.u32 s1, $0xD;
	s1 =	sshrl.u32 s1, $0x2  }
0x31: {  	s3 =	sand.u32 $0x4000, s31;
	s1 =	sadd.s32 s1, s30  }
0x32: {  	s0 =	sor.u32 s3, s0;
	s1 =	sshll.u32 s1, $0x11  }
0x33: {  	s0 =	sor.u32 s1, s0  }
0x34: {  	s0 =	sadd.s32 $0x8F2B, s0  }
0x35: {  	[sflag:s0] =	ssyncadd.remote.s32 $0x1  }
0x36: {  	_ =	sfence.sel $0xFFFF  }
0x37: {  	[dreg:$0x0] =	wrdreg $0xFFFFFFFF;
	(pc) =	sbr.abs _section_cstart, $3  }
0x38: {  	[dreg:$0x1] =	wrdreg $0xFFFFFFFF  }
0x39: {  	_ =	task.clear_ibuf [dreg:s7], $0x2FFFF;
	_ =	strace $0x9FFFFFFF  }
0x3a: {  	(tm) =	ssettm $0x7FFFFFFF  }
0x3b: {  	_ =	shalt  }
tec
execute0_lowered:
.L_overlay_start_1:
0x0: {  	(tag) =	ssettag $0x1  }
0x1: {  	s0 =	srdreg.scid  }
0x2: {  	s1 =	sshll.u32 s0, $0x4  }
0x3: {  	s0 =	stileid.u32;
	s1 =	sand.u32 $0x10, s1  }
0x4: {  	s1 =	sor.u32 s0, s1  }
0x5: {  	s6 =	rddreg [dreg:$0x0];
	s4 =	simm.s32 $0x1;
	s2 =	sshll.u32 s1, $0x7  }
0x6: {  	s7 =	simm.s32 $0x2;
	s12 =	simm.s32 $0x0;
	s1 =	ssub.s32 $0x4000, s2  }
0x7: {  	s8 =	simm.s32 $0x20000;
	s13 =	simm.s32 $0x0;
	s3 =	sand.u32 $0xF80, s1  }
0x8: {  	s9 =	simm.s32 $0x0;
	s5 =	sshrl.u32 s1, $0xC;
	p0 =	sne.s32 s3, $0x0  }
.Ltmp0:
0x9: {  	s1 =	rddreg [dreg:$0x2];
	s4 =	simm.s32 @!p0 $0x0;
	(pc) =	sbr.rel .LBB1_1-.Ltmp0, $4  }
0xa: {  	s11 =	simm.s32 $0x0;
	s3 =	rddreg [dreg:$0x1];
	s5 =	sadd.s32 s4, s5  }
0xb: {  	_ =	strace $0x8000004A;
	s4 =	simm.s32 $0x1;
	s5 =	smul.u32 $0x32, s5  }
0xc: {  	s6 =	sadd.s32 $0x800, s6;
	s10 =	smov.u32 s2;
	[sflag:s4] =	ssyncpa.u1 $0x0  }
0xd: {  	p0 =	por $0x0, $0x0;
	[sflag:s7] =	ssyncpa.u1 $0x0;
	s7 =	sor.u32 $0x1, s5  }
.LBB1_4:
0xe: {  	s16 =	sshll.u32 s13, $0x3;
	s17 =	sand.u32 $0x78, s13  }
0xf: {  	s30 =	sand.u32 $0x1F800, s13;
	s12 =	sshll.u32 s12, $0x11;
	s16 =	sand.u32 $0x3C00, s16  }
0x10: {  	[tilespmem:s15+$0x810 ss:$0x81] =	vst.msk $0xffff, v2;
	s31 =	sand.u32 $0x7, s13;
	s16 =	sor.u32 s17, s16;
	s17 =	sadd.s32 s3, s30  }
0x11: {  	[tilespmem:s15+$0x1020 ss:$0x81] =	vst.msk $0xffff, v0;
	s13 =	sshll.u32 s31, $0x12;
	s12 =	sadd.s32 s12, s17;
	s16 =	sshrl.u32 s16, $0x3  }
0x12: {  	[tilespmem:s15+$0x0 ss:$0x81] =	vst.msk $0xffff, v1;
	s13 =	sor.u32 $0x400, s13;
	s12 =	sadd.s32 s16, s12  }
0x13: {  	[hbm4b:s12+s13] =	stream.strided.scatter [tilespmem:s14], [sflag:$0x2], $0x2000, s8, s13, $0x20;
	[tilespmem:$0x8080] =	vst v63  }
.LBB1_5:
0x14: {  	s14 =	sadd.s32 $0x1, s9  }
0x15: {  	s12 =	sadd.s32 $0x1000, s10;
	s16 =	smov.u32 s10;
	p2 =	sgt.s32 s14, $0x31  }
0x16: {  	s16 =	smov.u32 @p2 s12  }
0x17: {  	s14 =	simm.s32 @p2 $0x0;
	p2 =	sgt.s32 s16, $0x3FFF  }
0x18: {  	s16 =	smov.u32 @p2 s2;
	p2 =	sne.s32 s11, s7  }
.Ltmp1:
0x19: {  	p1 =	slt.u32 s11, $0x2;
	(pc) =	sbr.rel @!p2 .LBB1_6-.Ltmp1, $4  }
0x1a: {  	s15 =	simm.s32 @!p1 $0x2  }
0x1b: {  	s13 =	smov.u32 s10;
	p0 =	por !p0, !p0;
	_ =	swait.ge @!p1 [sflag:s15], $0x2000  }
0x1c: {  	s12 =	smov.u32 s9;
	[sflag:s15] =	ssyncset.done @!p1 $0x0;
	s9 =	smov.u32 s14  }
0x1d: {  	s11 =	sadd.s32 $0x1, s11;
	[sflag:s15] =	ssyncadd.s32 @!p1 $0xFFFFE000;
	s10 =	smov.u32 s16  }
.LBB1_1:
0x1e: {  	p1 =	sge.u32 s11, s5  }
0x1f: {  	s14 =	sand.u32 @!p1 $0x1FFFFFF, s9  }
0x20: {  	s15 =	smulhi.u32 @!p1 $0x4924925, s14;
	_ =	sdelay $0x1  }
0x21: {  	s15 =	smul.u32 @!p1 $0x38, s15  }
0x22: {  	s16 =	sxor.u32 @!p1 $0xFFFFFFFF, s11;
	s17 =	smul.u32 @!p1 $0x380, s10  }
0x23: {  	s31 =	sadd.s32 $0xFFFFFFFF, s11;
	s16 =	sshll.u32 @!p1 s16, $0xD;
	s14 =	ssub.s32 @!p1 s14, s15  }
0x24: {  	s15 =	sand.u32 @!p1 $0x2000, s16;
	s16 =	sadd.s32 @!p1 s6, s17;
	s14 =	sshll.u32 @!p1 s14, $0x4  }
0x25: {  	s17 =	simm.s32 @!p1 $0x1C00;
	s14 =	sadd.s32 @!p1 s14, s16;
	s16 =	simm.s32 @!p1 $0x40  }
0x26: {  	[tilespmem:s15], [sflag:$0x1] =	stream.strided.gather @!p1 [hbm4b:s14+s16], $0x2000, s17, s16, $0x38;
	[tilespmem:$0x8080] =	vst v63  }
0x27: {  	p1 =	sge.u32 s31, s5  }
.Ltmp2:
0x28: {  	_ = 	snop;
	(pc) =	sbr.rel @p1 .LBB1_5-.Ltmp2, $1  }
0x29: {  	_ =	sdelay $0x3  }
0x2a: {  	s14 =	simm.s32 $0x1  }
0x2b: {  	_ =	swait.ge [sflag:s4], $0x2000;
	s14 =	simm.s32 @!p0 $0x0  }
0x2c: {  	[sflag:s4] =	ssyncset.done $0x0;
	s15 =	sshll.u32 s14, $0xD  }
0x2d: {  	[sflag:s4] =	ssyncadd.s32 $0xFFFFE000;
	s18 =	sor.u32 $0x20, s15  }
0x2e: {  	s14 =	smul.u32 $0x8100, s14;
	v3 =	vld [tilespmem:s18+$0x10]  }
0x2f: {  	s30 =	sand.u32 $0x1, s11;
	v2 =	vld [tilespmem:s18+$0xFFFFFFF0]  }
0x30: {  	s15 =	smul.u32 $0x8100, s30;
	s14 =	sshrl.u32 s14, $0x2;
	v0 =	vld [tilespmem:s18+$0x0]  }
0x31: {  	v1 =	vld [tilespmem:s18+$0xFFFFFFE0];
	s16 =	sor.u32 $0x4000, s14  }
0x32: {  	s31 =	sshrl.u32 s15, $0x2;
	s15 =	sadd.s32 $0x0, s16  }
0x33: {  	s17 =	simm.s32 $0x4;
	s18 =	sadd.s32 $0x40, s18;
	s14 =	sor.u32 $0x4000, s31;
	[tilespmem:s15+$0x1830 ss:$0x81] =	vst.msk $0xffff, v3  }
.LBB1_3:
0x34: {  	v3 =	vld [tilespmem:s18+$0x10];
	p1 =	sne.s32 s17, $0x1FC;
	[tilespmem:s15+$0x810 ss:$0x81] =	vst.msk $0xffff, v2;
	s19 =	smov.u32 s17;
	s17 =	sadd.s32 $0x4, s17  }
.Ltmp3:
0x35: {  	v2 =	vld [tilespmem:s18+$0xFFFFFFF0];
	[tilespmem:s15+$0x1020 ss:$0x81] =	vst.msk $0xffff, v0;
	(pc) =	sbr.rel @p1 .LBB1_3-.Ltmp3, $4  }
0x36: {  	v0 =	vld [tilespmem:s18+$0x0];
	[tilespmem:s15+$0x0 ss:$0x81] =	vst.msk $0xffff, v1  }
0x37: {  	s15 =	sshra.s32 s19, $0x2;
	v1 =	vld [tilespmem:s18+$0xFFFFFFE0]  }
0x38: {  	s15 =	sadd.s32 s15, s16  }
0x39: {  	s18 =	sadd.s32 $0x40, s18;
	[tilespmem:s15+$0x1830 ss:$0x81] =	vst.msk $0xffff, v3  }
.Ltmp4:
0x3a: {  	_ = 	snop;
	(pc) =	sbr.rel .LBB1_4-.Ltmp4, $1  }
0x3b: {  	_ =	sdelay $0x3  }
.LBB1_6:
0x3c: {  	_ =	sfence.sel $0x180000  }
0x3d: {  	s2 =	simm.s32 $0x1;
	[bflag:$0x0] =	sbarrier.arrive $0xFFFF  }
0x3e: {  	s31 =	simm.s32 $0x2;
	[sflag:s2] =	ssyncpa.u1 $0x1  }
0x3f: {  	[sflag:s31] =	ssyncpa.u1 $0x1  }
0x40: {  	p0 =	sne.s32 s0, $0x0;
	_ =	strace $0x9000004A  }
0x41: {  	s0 =	sadd.s32 @!p0 $0x100000, s1;
	[bflag:$0x2] =	sbarrier.arrive $0xFFFF  }
0x42: {  	[sflag:s0] =	ssyncadd.tile.s32 @!p0 $0x1;
	_ =	shalt  }
.Lfunc_end1:
_tile_overlayer_lowered:
.L_overlay_start_2:
0x43: {  	(tag) =	ssettag $0x2  }
0x44: {  	s0 =	rddreg [dreg:$0x0];
	s2 =	stileid.u32  }
0x45: {  	s1 =	rddreg [dreg:$0x1];
	p0 =	sne.s32 s2, $0x0  }
0x46: {  	s3 =	rddreg [dreg:$0x2];
	[bflag:$0x3] =	sbarrier.arrive $0xFFFF;
	s2 =	simm.s32 @!p0 $0x1C01  }
0x47: {  	[timem:s3], [sflag:s2] =	dma.local @!p0 [hbm:s0], s1  }
0x48: {  	s0 =	simm.s32 @!p0 $0x1  }
0x49: {  	_ =	swait.ge @!p0 [sflag:s0], s1  }
0x4a: {  	s1 =	ssub.s32 @!p0 $0x0, s1;
	[sflag:s0] =	ssyncset.done @!p0 $0x0  }
0x4b: {  	[sflag:s0] =	ssyncadd.s32 @!p0 s1  }
0x4c: {  	[bflag:$0x3] =	sbarrier.arrive $0xFFFF  }
0x4d: {  	_ =	shalt  }

</sc_bundles>
